<compile_context>
chip_gen: v7x
topology: tpu7x:2x2x1
jax: 0.10.2.dev20260603
libtpu: 0.0.44.dev20260713+nightly
codegen_flags: <defaults>
</compile_context>

<pallas_src>
import functools

import jax
import jax.numpy as jnp
from jax import lax
from jax.experimental import pallas as pl
from jax.experimental.pallas import tpu as pltpu
from jax.experimental.pallas import tpu_sc as plsc

N = 10000
E = 320000
HID = 16
NPAD = 10240
NC = 2
NS = 16
NW = NC * NS
CH = 80
EPW = E // NW
NCH = EPW // CH
SPW = NPAD // NS
NB = 25
NGRP = NCH // NB

_f32 = jnp.float32
_SDS = jax.ShapeDtypeStruct


def _mesh():
    return plsc.VectorSubcoreMesh(core_axis_name="c", subcore_axis_name="s")


_SC_PARAMS = pltpu.CompilerParams(use_tc_tiling_on_sc=False)


def _sc_pass_a(row3d, col3d, attr3d, zrow):
    @functools.partial(
        pl.kernel,
        out_type=(_SDS((NC, NPAD), _f32), _SDS((NC, NPAD), _f32)),
        mesh=_mesh(),
        compiler_params=_SC_PARAMS,
        scratch_types=[
            pltpu.VMEM((NCH, CH), jnp.int32),
            pltpu.VMEM((NCH, CH), jnp.int32),
            pltpu.VMEM((NCH, CH), _f32),
            pltpu.VMEM((CH,), _f32),
            pltpu.VMEM_SHARED((NPAD,), _f32),
            pltpu.VMEM_SHARED((NPAD,), _f32),
            pltpu.SemaphoreType.DMA,
        ],
    )
    def k(row_hbm, col_hbm, attr_hbm, z_hbm,
          outdeg_hbm, outxe_hbm,
          rowbuf, colbuf, attrbuf, onesbuf, deg_acc, xe_acc, sem):
        c = lax.axis_index("c")
        s = lax.axis_index("s")
        wid = c * NS + s
        sl = pl.ds(s * SPW, SPW)
        pltpu.sync_copy(z_hbm, deg_acc.at[sl])
        pltpu.sync_copy(z_hbm, xe_acc.at[sl])
        for i in range(CH // 16):
            onesbuf[pl.ds(i * 16, 16)] = jnp.ones((16,), _f32)
        pltpu.sync_copy(row_hbm.at[wid], rowbuf)
        pltpu.sync_copy(col_hbm.at[wid], colbuf)
        pltpu.sync_copy(attr_hbm.at[wid], attrbuf)
        plsc.subcore_barrier()

        def fire(j, carry):
            pltpu.async_copy(onesbuf, deg_acc.at[colbuf.at[j]], sem,
                             add=True)
            pltpu.async_copy(attrbuf.at[j], xe_acc.at[rowbuf.at[j]], sem,
                             add=True)
            return carry

        lax.fori_loop(0, NCH, fire, 0)

        def drain(j, carry):
            pltpu.make_async_copy(onesbuf, deg_acc.at[colbuf.at[j]],
                                  sem).wait()
            pltpu.make_async_copy(attrbuf.at[j], xe_acc.at[rowbuf.at[j]],
                                  sem).wait()
            return carry

        lax.fori_loop(0, NCH, drain, 0)
        plsc.subcore_barrier()
        pltpu.sync_copy(deg_acc.at[sl], outdeg_hbm.at[c, sl])
        pltpu.sync_copy(xe_acc.at[sl], outxe_hbm.at[c, sl])

    return k(row3d, col3d, attr3d, zrow)


def _sc_pass_c(row3d, col3d, g1, zrow16):
    @functools.partial(
        pl.kernel,
        out_type=_SDS((NC, NPAD, HID), _f32),
        mesh=_mesh(),
        compiler_params=_SC_PARAMS,
        scratch_types=[
            pltpu.VMEM((NCH, CH), jnp.int32),
            pltpu.VMEM((NCH, CH), jnp.int32),
            pltpu.VMEM((2 * NB, CH, HID), _f32),
            pltpu.VMEM_SHARED((NPAD, HID), _f32),
            pltpu.SemaphoreType.DMA,
            pltpu.SemaphoreType.DMA,
        ],
    )
    def k(row_hbm, col_hbm, g1_hbm, z_hbm, out_hbm,
          rowbuf, colbuf, vals, acc, gsem, ssem):
        c = lax.axis_index("c")
        s = lax.axis_index("s")
        wid = c * NS + s
        sl = pl.ds(s * SPW, SPW)
        pltpu.sync_copy(z_hbm, acc.at[sl, :])
        pltpu.sync_copy(row_hbm.at[wid], rowbuf)
        pltpu.sync_copy(col_hbm.at[wid], colbuf)
        plsc.subcore_barrier()

        def fire_gathers(g, bank):
            def fg(i, carry):
                pltpu.async_copy(g1_hbm.at[rowbuf.at[g * NB + i]],
                                 vals.at[bank * NB + i], gsem)
                return carry
            lax.fori_loop(0, NB, fg, 0)

        def drain_gathers(g, bank):
            def dg(i, carry):
                pltpu.make_async_copy(g1_hbm.at[rowbuf.at[g * NB + i]],
                                      vals.at[bank * NB + i], gsem).wait()
                return carry
            lax.fori_loop(0, NB, dg, 0)

        def fire_scatters(g, bank):
            def fs(i, carry):
                pltpu.async_copy(vals.at[bank * NB + i],
                                 acc.at[colbuf.at[g * NB + i]], ssem,
                                 add=True)
                return carry
            lax.fori_loop(0, NB, fs, 0)

        def drain_scatters(g, bank):
            def ds(i, carry):
                pltpu.make_async_copy(vals.at[bank * NB + i],
                                      acc.at[colbuf.at[g * NB + i]],
                                      ssem).wait()
                return carry
            lax.fori_loop(0, NB, ds, 0)

        fire_gathers(0, 0)

        def grp(g, carry):
            bank = lax.rem(g, 2)
            drain_gathers(g, bank)
            fire_scatters(g, bank)

            @pl.when(g > 0)
            def _():
                drain_scatters(g - 1, 1 - bank)

            @pl.when(g < NGRP - 1)
            def _():
                fire_gathers(g + 1, 1 - bank)

            return carry

        lax.fori_loop(0, NGRP, grp, 0)
        drain_scatters(NGRP - 1, lax.rem(NGRP - 1, 2))
        plsc.subcore_barrier()
        pltpu.sync_copy(acc.at[sl, :], out_hbm.at[c, sl, :])

    return k(row3d, col3d, g1, zrow16)


def _sc_pass_e(row3d, col3d, g2, zrow):
    @functools.partial(
        pl.kernel,
        out_type=_SDS((NC, NPAD), _f32),
        mesh=_mesh(),
        compiler_params=_SC_PARAMS,
        scratch_types=[
            pltpu.VMEM((NCH, CH), jnp.int32),
            pltpu.VMEM((NCH, CH), jnp.int32),
            pltpu.VMEM((2 * NB, CH), _f32),
            pltpu.VMEM_SHARED((N,), _f32),
            pltpu.VMEM_SHARED((NPAD,), _f32),
            pltpu.SemaphoreType.DMA,
            pltpu.SemaphoreType.DMA,
        ],
    )
    def k(row_hbm, col_hbm, g2_hbm, z_hbm, out_hbm,
          rowbuf, colbuf, vals, g2s, acc, gsem, ssem):
        c = lax.axis_index("c")
        s = lax.axis_index("s")
        wid = c * NS + s
        sl = pl.ds(s * SPW, SPW)
        pltpu.sync_copy(z_hbm, acc.at[sl])

        @pl.when(s == 0)
        def _stage():
            pltpu.sync_copy(g2_hbm, g2s)

        pltpu.sync_copy(row_hbm.at[wid], rowbuf)
        pltpu.sync_copy(col_hbm.at[wid], colbuf)
        plsc.subcore_barrier()

        def fire_gathers(g, bank):
            def fg(i, carry):
                pltpu.async_copy(g2s.at[rowbuf.at[g * NB + i]],
                                 vals.at[bank * NB + i], gsem)
                return carry
            lax.fori_loop(0, NB, fg, 0)

        def drain_gathers(g, bank):
            def dg(i, carry):
                pltpu.make_async_copy(g2s.at[rowbuf.at[g * NB + i]],
                                      vals.at[bank * NB + i], gsem).wait()
                return carry
            lax.fori_loop(0, NB, dg, 0)

        def fire_scatters(g, bank):
            def fs(i, carry):
                pltpu.async_copy(vals.at[bank * NB + i],
                                 acc.at[colbuf.at[g * NB + i]], ssem,
                                 add=True)
                return carry
            lax.fori_loop(0, NB, fs, 0)

        def drain_scatters(g, bank):
            def ds(i, carry):
                pltpu.make_async_copy(vals.at[bank * NB + i],
                                      acc.at[colbuf.at[g * NB + i]],
                                      ssem).wait()
                return carry
            lax.fori_loop(0, NB, ds, 0)

        fire_gathers(0, 0)

        def grp(g, carry):
            bank = lax.rem(g, 2)
            drain_gathers(g, bank)
            fire_scatters(g, bank)

            @pl.when(g > 0)
            def _():
                drain_scatters(g - 1, 1 - bank)

            @pl.when(g < NGRP - 1)
            def _():
                fire_gathers(g + 1, 1 - bank)

            return carry

        lax.fori_loop(0, NGRP, grp, 0)
        drain_scatters(NGRP - 1, lax.rem(NGRP - 1, 2))
        plsc.subcore_barrier()
        pltpu.sync_copy(acc.at[sl], out_hbm.at[c, sl])

    return k(row3d, col3d, g2, zrow)


def _tc_pass_z(edge_index):
    def body(ei, row_ref, col_ref):
        row_ref[...] = ei[0, :]
        col_ref[...] = ei[1, :]

    return pl.pallas_call(
        body,
        out_shape=(_SDS((E,), jnp.int32), _SDS((E,), jnp.int32)),
    )(edge_index)


def _tc_pass_b(x, degp, xep, W1):
    def body(x_ref, dp, xp, w1, g1_ref, dinv_ref):
        deg = 1.0 + dp[0, :N] + dp[1, :N]
        dinv = 1.0 / jnp.sqrt(deg)
        xe = xp[0, :N] + xp[1, :N]
        xin = jnp.concatenate([x_ref[...], xe[:, None]], axis=1)
        h1 = jnp.dot(xin, w1[...], preferred_element_type=_f32)
        g1_ref[...] = h1 * dinv[:, None]
        dinv_ref[...] = dinv

    return pl.pallas_call(
        body,
        out_shape=(_SDS((N, HID), _f32), _SDS((N,), _f32)),
    )(x, degp, xep, W1)


def _tc_pass_d(s1p, g1, dinv, b1, W2):
    def body(sp, g1r, dv, b1r, w2, g2_ref):
        S = sp[0, :N, :] + sp[1, :N, :] + g1r[...]
        out1 = dv[...][:, None] * S + b1r[...][None, :]
        h = jnp.maximum(out1, 0.0)
        h2 = jnp.dot(h, w2[...], preferred_element_type=_f32)
        g2_ref[...] = h2[:, 0] * dv[...]

    return pl.pallas_call(
        body,
        out_shape=_SDS((N,), _f32),
    )(s1p, g1, dinv, b1, W2)


def _tc_pass_f(s2p, g2, dinv, b2):
    def body(sp, g2r, dv, b2r, out_ref):
        v = dv[...] * (sp[0, :N] + sp[1, :N] + g2r[...])
        out_ref[...] = v[:, None] + b2r[...][None, :]

    return pl.pallas_call(
        body,
        out_shape=_SDS((N, 1), _f32),
    )(s2p, g2, dinv, b2)


def kernel(x, edge_attr, edge_index, W1, b1, W2, b2):
    rowf, colf = _tc_pass_z(edge_index)
    row = rowf.reshape(NW, NCH, CH)
    col = colf.reshape(NW, NCH, CH)
    attr = edge_attr.reshape(NW, NCH, CH)
    zrow = jnp.zeros((SPW,), _f32)
    zrow16 = jnp.zeros((SPW, HID), _f32)

    degp, xep = _sc_pass_a(row, col, attr, zrow)
    g1, dinv = _tc_pass_b(x, degp, xep, W1)
    s1p = _sc_pass_c(row, col, g1, zrow16)
    g2 = _tc_pass_d(s1p, g1, dinv, b1, W2)
    s2p = _sc_pass_e(row, col, g2, zrow)
    return _tc_pass_f(s2p, g2, dinv, b2)

# --- scband reference (transcript-rebuilt; emitter-appended) ---
"""Pipeline reference for scband-gcn-88734024335852 (READ-ONLY COPY).

The authoritative reference and input builder live on the scoring server;
editing this copy changes nothing except your own understanding.
"""

import jax, jax.numpy as jnp
import numpy as np

N = 10000
E = 320000
D_FEAT = 128
D_EDGE = 1
HID = 16


def gcn_conv(x, edge_index, W, b):
    n = x.shape[0]
    row, col = edge_index[0], edge_index[1]
    loop = jnp.arange(n, dtype=row.dtype)
    row_sl = jnp.concatenate([row, loop])
    col_sl = jnp.concatenate([col, loop])
    ones = jnp.ones(row_sl.shape[0], dtype=x.dtype)
    deg = jax.ops.segment_sum(ones, col_sl, num_segments=n)
    dinv = jnp.where(deg > 0, 1.0 / jnp.sqrt(deg), 0.0)
    norm = dinv[row_sl] * dinv[col_sl]
    h = x @ W
    msg = h[row_sl] * norm[:, None]
    out = jax.ops.segment_sum(msg, col_sl, num_segments=n)
    return out + b


def setup_inputs(seed: int = 0) -> dict:
    key = jax.random.key(seed)
    k1, k2, k3, k4, k5, k6, k7, k8 = jax.random.split(key, 8)
    x = jax.random.normal(k1, (N, D_FEAT), dtype=jnp.float32)
    edge_attr = jax.random.uniform(k2, (E, D_EDGE), dtype=jnp.float32)
    row = jnp.sort(jax.random.randint(k3, (E,), 0, N, dtype=jnp.int32))
    col = jax.random.randint(k4, (E,), 0, N, dtype=jnp.int32)
    edge_index = jnp.stack([row, col], axis=0)
    d_in = D_FEAT + D_EDGE
    W1 = jax.random.normal(k5, (d_in, HID), dtype=jnp.float32) / np.sqrt(d_in)
    b1 = jnp.zeros((HID,), dtype=jnp.float32)
    W2 = jax.random.normal(k6, (HID, 1), dtype=jnp.float32) / np.sqrt(HID)
    b2 = jnp.zeros((1,), dtype=jnp.float32)
    return {"x": x, "edge_attr": edge_attr, "edge_index": edge_index,
            "W1": W1, "b1": b1, "W2": W2, "b2": b2}


def reference(x, edge_attr, edge_index, W1, b1, W2, b2):
    # node_4edge_slice + per-node loop-sum of edge_attr grouped by sorted source node
    # is exactly a segment-sum of edge_attr over edge_index[0].
    row = edge_index[0]
    x_edge = jax.ops.segment_sum(edge_attr, row, num_segments=x.shape[0])  # [N, 1]
    xin = jnp.concatenate([x, x_edge], axis=1)
    h = jax.nn.relu(gcn_conv(xin, edge_index, W1, b1))
    # dropout is identity in eval mode
    out = gcn_conv(h, edge_index, W2, b2)
    return out

if __name__ == "__main__":
    import jax
    _d = setup_inputs()
    print(jax.jit(kernel)(*tuple(_d.values())))

</pallas_src>

<mosaic_0001>
#map = affine_map<(d0, d1) -> (0, 0, 0)>
#map1 = affine_map<(d0, d1) -> (0)>
#map2 = affine_map<(d0, d1) -> (0, 0)>
module attributes {stable_mosaic.version = 14 : i64} {
  func.func @k(%arg0: i32, %arg1: i32, %arg2: memref<32x125x80xi32, #tpu.memory_space<hbm>>, %arg3: memref<32x125x80xi32, #tpu.memory_space<hbm>>, %arg4: memref<32x125x80xf32, #tpu.memory_space<hbm>>, %arg5: memref<640xf32, #tpu.memory_space<hbm>>, %arg6: memref<2x10240xf32, #tpu.memory_space<hbm>>, %arg7: memref<2x10240xf32, #tpu.memory_space<hbm>>, %arg8: memref<125x80xi32, #tpu.memory_space<vmem>>, %arg9: memref<125x80xi32, #tpu.memory_space<vmem>>, %arg10: memref<125x80xf32, #tpu.memory_space<vmem>>, %arg11: memref<80xf32, #tpu.memory_space<vmem>>, %arg12: memref<10240xf32, #tpu.memory_space<vmem_shared>>, %arg13: memref<10240xf32, #tpu.memory_space<vmem_shared>>, %arg14: memref<!tpu.dma_semaphore, #tpu.memory_space<semaphore_mem>>) attributes {dimension_semantics = [#tpu.dimension_semantics<core_parallel>, #tpu.dimension_semantics<subcore_parallel>], iteration_bounds = array<i64: 2, 16>, scalar_prefetch = 0 : i64, scratch_operands = 7 : i64, tpu.core_type = #tpu.core_type<sc_vector_subcore>, window_params = [{transform_indices = #map}, {transform_indices = #map}, {transform_indices = #map}, {transform_indices = #map1}, {transform_indices = #map2}, {transform_indices = #map2}]} {
    %mul3A = arith.constant 16 : i32
    %mul3A_0 = arith.muli %arg0, %mul3A : i32
    %add3A = arith.addi %mul3A_0, %arg1 : i32
    %mul3A_1 = arith.constant 640 : i32
    %mul3A_2 = arith.muli %arg1, %mul3A_1 : i32
    "tpu.region"() ({
      %run_scoped3A = tpu.sem_alloc : memref<!tpu.dma_semaphore, #tpu.memory_space<semaphore_mem>>
      %dma_start3A = tpu.memref_slice %arg12[%mul3A_2] : memref<10240xf32, #tpu.memory_space<vmem_shared>> -> memref<640xf32, #tpu.memory_space<vmem_shared>>
      tpu.enqueue_dma source(%arg5 : memref<640xf32, #tpu.memory_space<hbm>>) target(%dma_start3A : memref<640xf32, #tpu.memory_space<vmem_shared>>) target_semaphore(%run_scoped3A : memref<!tpu.dma_semaphore, #tpu.memory_space<semaphore_mem>>)
      %dma_wait3A = tpu.memref_slice %arg12[%mul3A_2] : memref<10240xf32, #tpu.memory_space<vmem_shared>> -> memref<640xf32, #tpu.memory_space<vmem_shared>>
      tpu.wait_dma2 semaphore(%run_scoped3A : memref<!tpu.dma_semaphore, #tpu.memory_space<semaphore_mem>>) src(%arg5 : memref<640xf32, #tpu.memory_space<hbm>>) dst(%dma_wait3A : memref<640xf32, #tpu.memory_space<vmem_shared>>)
      tpu.yield
    }) : () -> ()
    "tpu.region"() ({
      %run_scoped3A = tpu.sem_alloc : memref<!tpu.dma_semaphore, #tpu.memory_space<semaphore_mem>>
      %dma_start3A = tpu.memref_slice %arg13[%mul3A_2] : memref<10240xf32, #tpu.memory_space<vmem_shared>> -> memref<640xf32, #tpu.memory_space<vmem_shared>>
      tpu.enqueue_dma source(%arg5 : memref<640xf32, #tpu.memory_space<hbm>>) target(%dma_start3A : memref<640xf32, #tpu.memory_space<vmem_shared>>) target_semaphore(%run_scoped3A : memref<!tpu.dma_semaphore, #tpu.memory_space<semaphore_mem>>)
      %dma_wait3A = tpu.memref_slice %arg13[%mul3A_2] : memref<10240xf32, #tpu.memory_space<vmem_shared>> -> memref<640xf32, #tpu.memory_space<vmem_shared>>
      tpu.wait_dma2 semaphore(%run_scoped3A : memref<!tpu.dma_semaphore, #tpu.memory_space<semaphore_mem>>) src(%arg5 : memref<640xf32, #tpu.memory_space<hbm>>) dst(%dma_wait3A : memref<640xf32, #tpu.memory_space<vmem_shared>>)
      tpu.yield
    }) : () -> ()
    %broadcast_in_dim3A = arith.constant 1.000000e+00 : f32
    %broadcast_in_dim3A_3 = vector.broadcast %broadcast_in_dim3A : f32 to vector<16xf32>
    %swap3A = arith.constant 0 : index
    %swap3A_4 = tpu.vector_load %arg11[%swap3A] {strides = array<i32>} : memref<80xf32, #tpu.memory_space<vmem>>, vector<16xf32>,
    %swap3A_5 = vector.shape_cast %swap3A_4 : vector<16xf32> to vector<16xf32>
    %swap3A_6 = vector.shape_cast %broadcast_in_dim3A_3 : vector<16xf32> to vector<16xf32>
    tpu.vector_store %arg11[%swap3A], %swap3A_6 {strides = array<i32>} : memref<80xf32, #tpu.memory_space<vmem>>, vector<16xf32>,
    %broadcast_in_dim3A_7 = arith.constant 1.000000e+00 : f32
    %broadcast_in_dim3A_8 = vector.broadcast %broadcast_in_dim3A_7 : f32 to vector<16xf32>
    %swap3A_9 = arith.constant 16 : index
    %swap3A_10 = tpu.vector_load %arg11[%swap3A_9] {strides = array<i32>} : memref<80xf32, #tpu.memory_space<vmem>>, vector<16xf32>,
    %swap3A_11 = vector.shape_cast %swap3A_10 : vector<16xf32> to vector<16xf32>
    %swap3A_12 = vector.shape_cast %broadcast_in_dim3A_8 : vector<16xf32> to vector<16xf32>
    tpu.vector_store %arg11[%swap3A_9], %swap3A_12 {strides = array<i32>} : memref<80xf32, #tpu.memory_space<vmem>>, vector<16xf32>,
    %broadcast_in_dim3A_13 = arith.constant 1.000000e+00 : f32
    %broadcast_in_dim3A_14 = vector.broadcast %broadcast_in_dim3A_13 : f32 to vector<16xf32>
    %swap3A_15 = arith.constant 32 : index
    %swap3A_16 = tpu.vector_load %arg11[%swap3A_15] {strides = array<i32>} : memref<80xf32, #tpu.memory_space<vmem>>, vector<16xf32>,
    %swap3A_17 = vector.shape_cast %swap3A_16 : vector<16xf32> to vector<16xf32>
    %swap3A_18 = vector.shape_cast %broadcast_in_dim3A_14 : vector<16xf32> to vector<16xf32>
    tpu.vector_store %arg11[%swap3A_15], %swap3A_18 {strides = array<i32>} : memref<80xf32, #tpu.memory_space<vmem>>, vector<16xf32>,
    %broadcast_in_dim3A_19 = arith.constant 1.000000e+00 : f32
    %broadcast_in_dim3A_20 = vector.broadcast %broadcast_in_dim3A_19 : f32 to vector<16xf32>
    %swap3A_21 = arith.constant 48 : index
    %swap3A_22 = tpu.vector_load %arg11[%swap3A_21] {strides = array<i32>} : memref<80xf32, #tpu.memory_space<vmem>>, vector<16xf32>,
    %swap3A_23 = vector.shape_cast %swap3A_22 : vector<16xf32> to vector<16xf32>
    %swap3A_24 = vector.shape_cast %broadcast_in_dim3A_20 : vector<16xf32> to vector<16xf32>
    tpu.vector_store %arg11[%swap3A_21], %swap3A_24 {strides = array<i32>} : memref<80xf32, #tpu.memory_space<vmem>>, vector<16xf32>,
    %broadcast_in_dim3A_25 = arith.constant 1.000000e+00 : f32
    %broadcast_in_dim3A_26 = vector.broadcast %broadcast_in_dim3A_25 : f32 to vector<16xf32>
    %swap3A_27 = arith.constant 64 : index
    %swap3A_28 = tpu.vector_load %arg11[%swap3A_27] {strides = array<i32>} : memref<80xf32, #tpu.memory_space<vmem>>, vector<16xf32>,
    %swap3A_29 = vector.shape_cast %swap3A_28 : vector<16xf32> to vector<16xf32>
    %swap3A_30 = vector.shape_cast %broadcast_in_dim3A_26 : vector<16xf32> to vector<16xf32>
    tpu.vector_store %arg11[%swap3A_27], %swap3A_30 {strides = array<i32>} : memref<80xf32, #tpu.memory_space<vmem>>, vector<16xf32>,
    "tpu.region"() ({
      %run_scoped3A = tpu.sem_alloc : memref<!tpu.dma_semaphore, #tpu.memory_space<semaphore_mem>>
      %dma_start3A = arith.constant 0 : i32
      %dma_start3A_43 = arith.constant 0 : i32
      %dma_start3A_44 = tpu.memref_slice %arg2[%add3A, %dma_start3A, %dma_start3A_43] : memref<32x125x80xi32, #tpu.memory_space<hbm>> -> memref<1x125x80xi32, #tpu.memory_space<hbm>>
      %dma_start3A_45 = tpu.memref_squeeze %dma_start3A_44 : memref<1x125x80xi32, #tpu.memory_space<hbm>> -> memref<125x80xi32, #tpu.memory_space<hbm>>
      %dma_start3A_46 = arith.constant 0 : i32
      %dma_start3A_47 = arith.constant 0 : i32
      %dma_start3A_48 = tpu.memref_slice %arg2[%add3A, %dma_start3A_46, %dma_start3A_47] : memref<32x125x80xi32, #tpu.memory_space<hbm>> -> memref<1x125x80xi32, #tpu.memory_space<hbm>>
      %dma_start3A_49 = tpu.memref_squeeze %dma_start3A_48 : memref<1x125x80xi32, #tpu.memory_space<hbm>> -> memref<125x80xi32, #tpu.memory_space<hbm>>
      tpu.enqueue_dma source(%dma_start3A_49 : memref<125x80xi32, #tpu.memory_space<hbm>>) target(%arg8 : memref<125x80xi32, #tpu.memory_space<vmem>>) target_semaphore(%run_scoped3A : memref<!tpu.dma_semaphore, #tpu.memory_space<semaphore_mem>>)
      %dma_wait3A = arith.constant 0 : i32
      %dma_wait3A_50 = arith.constant 0 : i32
      %dma_wait3A_51 = tpu.memref_slice %arg2[%add3A, %dma_wait3A, %dma_wait3A_50] : memref<32x125x80xi32, #tpu.memory_space<hbm>> -> memref<1x125x80xi32, #tpu.memory_space<hbm>>
      %dma_wait3A_52 = tpu.memref_squeeze %dma_wait3A_51 : memref<1x125x80xi32, #tpu.memory_space<hbm>> -> memref<125x80xi32, #tpu.memory_space<hbm>>
      %dma_wait3A_53 = arith.constant 0 : i32
      %dma_wait3A_54 = arith.constant 0 : i32
      %dma_wait3A_55 = tpu.memref_slice %arg2[%add3A, %dma_wait3A_53, %dma_wait3A_54] : memref<32x125x80xi32, #tpu.memory_space<hbm>> -> memref<1x125x80xi32, #tpu.memory_space<hbm>>
      %dma_wait3A_56 = tpu.memref_squeeze %dma_wait3A_55 : memref<1x125x80xi32, #tpu.memory_space<hbm>> -> memref<125x80xi32, #tpu.memory_space<hbm>>
      tpu.wait_dma2 semaphore(%run_scoped3A : memref<!tpu.dma_semaphore, #tpu.memory_space<semaphore_mem>>) src(%dma_wait3A_56 : memref<125x80xi32, #tpu.memory_space<hbm>>) dst(%arg8 : memref<125x80xi32, #tpu.memory_space<vmem>>)
      tpu.yield
    }) : () -> ()
    "tpu.region"() ({
      %run_scoped3A = tpu.sem_alloc : memref<!tpu.dma_semaphore, #tpu.memory_space<semaphore_mem>>
      %dma_start3A = arith.constant 0 : i32
      %dma_start3A_43 = arith.constant 0 : i32
      %dma_start3A_44 = tpu.memref_slice %arg3[%add3A, %dma_start3A, %dma_start3A_43] : memref<32x125x80xi32, #tpu.memory_space<hbm>> -> memref<1x125x80xi32, #tpu.memory_space<hbm>>
      %dma_start3A_45 = tpu.memref_squeeze %dma_start3A_44 : memref<1x125x80xi32, #tpu.memory_space<hbm>> -> memref<125x80xi32, #tpu.memory_space<hbm>>
      %dma_start3A_46 = arith.constant 0 : i32
      %dma_start3A_47 = arith.constant 0 : i32
      %dma_start3A_48 = tpu.memref_slice %arg3[%add3A, %dma_start3A_46, %dma_start3A_47] : memref<32x125x80xi32, #tpu.memory_space<hbm>> -> memref<1x125x80xi32, #tpu.memory_space<hbm>>
      %dma_start3A_49 = tpu.memref_squeeze %dma_start3A_48 : memref<1x125x80xi32, #tpu.memory_space<hbm>> -> memref<125x80xi32, #tpu.memory_space<hbm>>
      tpu.enqueue_dma source(%dma_start3A_49 : memref<125x80xi32, #tpu.memory_space<hbm>>) target(%arg9 : memref<125x80xi32, #tpu.memory_space<vmem>>) target_semaphore(%run_scoped3A : memref<!tpu.dma_semaphore, #tpu.memory_space<semaphore_mem>>)
      %dma_wait3A = arith.constant 0 : i32
      %dma_wait3A_50 = arith.constant 0 : i32
      %dma_wait3A_51 = tpu.memref_slice %arg3[%add3A, %dma_wait3A, %dma_wait3A_50] : memref<32x125x80xi32, #tpu.memory_space<hbm>> -> memref<1x125x80xi32, #tpu.memory_space<hbm>>
      %dma_wait3A_52 = tpu.memref_squeeze %dma_wait3A_51 : memref<1x125x80xi32, #tpu.memory_space<hbm>> -> memref<125x80xi32, #tpu.memory_space<hbm>>
      %dma_wait3A_53 = arith.constant 0 : i32
      %dma_wait3A_54 = arith.constant 0 : i32
      %dma_wait3A_55 = tpu.memref_slice %arg3[%add3A, %dma_wait3A_53, %dma_wait3A_54] : memref<32x125x80xi32, #tpu.memory_space<hbm>> -> memref<1x125x80xi32, #tpu.memory_space<hbm>>
      %dma_wait3A_56 = tpu.memref_squeeze %dma_wait3A_55 : memref<1x125x80xi32, #tpu.memory_space<hbm>> -> memref<125x80xi32, #tpu.memory_space<hbm>>
      tpu.wait_dma2 semaphore(%run_scoped3A : memref<!tpu.dma_semaphore, #tpu.memory_space<semaphore_mem>>) src(%dma_wait3A_56 : memref<125x80xi32, #tpu.memory_space<hbm>>) dst(%arg9 : memref<125x80xi32, #tpu.memory_space<vmem>>)
      tpu.yield
    }) : () -> ()
    "tpu.region"() ({
      %run_scoped3A = tpu.sem_alloc : memref<!tpu.dma_semaphore, #tpu.memory_space<semaphore_mem>>
      %dma_start3A = arith.constant 0 : i32
      %dma_start3A_43 = arith.constant 0 : i32
      %dma_start3A_44 = tpu.memref_slice %arg4[%add3A, %dma_start3A, %dma_start3A_43] : memref<32x125x80xf32, #tpu.memory_space<hbm>> -> memref<1x125x80xf32, #tpu.memory_space<hbm>>
      %dma_start3A_45 = tpu.memref_squeeze %dma_start3A_44 : memref<1x125x80xf32, #tpu.memory_space<hbm>> -> memref<125x80xf32, #tpu.memory_space<hbm>>
      %dma_start3A_46 = arith.constant 0 : i32
      %dma_start3A_47 = arith.constant 0 : i32
      %dma_start3A_48 = tpu.memref_slice %arg4[%add3A, %dma_start3A_46, %dma_start3A_47] : memref<32x125x80xf32, #tpu.memory_space<hbm>> -> memref<1x125x80xf32, #tpu.memory_space<hbm>>
      %dma_start3A_49 = tpu.memref_squeeze %dma_start3A_48 : memref<1x125x80xf32, #tpu.memory_space<hbm>> -> memref<125x80xf32, #tpu.memory_space<hbm>>
      tpu.enqueue_dma source(%dma_start3A_49 : memref<125x80xf32, #tpu.memory_space<hbm>>) target(%arg10 : memref<125x80xf32, #tpu.memory_space<vmem>>) target_semaphore(%run_scoped3A : memref<!tpu.dma_semaphore, #tpu.memory_space<semaphore_mem>>)
      %dma_wait3A = arith.constant 0 : i32
      %dma_wait3A_50 = arith.constant 0 : i32
      %dma_wait3A_51 = tpu.memref_slice %arg4[%add3A, %dma_wait3A, %dma_wait3A_50] : memref<32x125x80xf32, #tpu.memory_space<hbm>> -> memref<1x125x80xf32, #tpu.memory_space<hbm>>
      %dma_wait3A_52 = tpu.memref_squeeze %dma_wait3A_51 : memref<1x125x80xf32, #tpu.memory_space<hbm>> -> memref<125x80xf32, #tpu.memory_space<hbm>>
      %dma_wait3A_53 = arith.constant 0 : i32
      %dma_wait3A_54 = arith.constant 0 : i32
      %dma_wait3A_55 = tpu.memref_slice %arg4[%add3A, %dma_wait3A_53, %dma_wait3A_54] : memref<32x125x80xf32, #tpu.memory_space<hbm>> -> memref<1x125x80xf32, #tpu.memory_space<hbm>>
      %dma_wait3A_56 = tpu.memref_squeeze %dma_wait3A_55 : memref<1x125x80xf32, #tpu.memory_space<hbm>> -> memref<125x80xf32, #tpu.memory_space<hbm>>
      tpu.wait_dma2 semaphore(%run_scoped3A : memref<!tpu.dma_semaphore, #tpu.memory_space<semaphore_mem>>) src(%dma_wait3A_56 : memref<125x80xf32, #tpu.memory_space<hbm>>) dst(%arg10 : memref<125x80xf32, #tpu.memory_space<vmem>>)
      tpu.yield
    }) : () -> ()
    %barrier3A = arith.constant 0 : index
    tpu.barrier barrier_id(%barrier3A)
    %scan3A = arith.constant 0 : i32
    %scan3A_31 = arith.constant 0 : i32
    %scan3A_32 = arith.constant 125 : i32
    %scan3A_33 = arith.addi %scan3A_31, %scan3A_32 : i32
    %scan3A_34 = arith.constant 1 : i32
    scf.for %scan3A_43 = %scan3A_31 to %scan3A_33 step %scan3A_34  : i32 {
      %dma_start3A = arith.constant 0 : i32
      %dma_start3A_44 = tpu.memref_slice %arg9[%scan3A_43, %dma_start3A] : memref<125x80xi32, #tpu.memory_space<vmem>> -> memref<1x80xi32, #tpu.memory_space<vmem>>
      %dma_start3A_45 = tpu.memref_squeeze %dma_start3A_44 : memref<1x80xi32, #tpu.memory_space<vmem>> -> memref<80xi32, #tpu.memory_space<vmem>>
      %dma_start3A_46 = arith.constant 0 : i32
      %dma_start3A_47 = tpu.memref_slice %arg12[%dma_start3A_46] : memref<10240xf32, #tpu.memory_space<vmem_shared>> -> memref<10240xf32, #tpu.memory_space<vmem_shared>>
      tpu.enqueue_indirect_dma source(%arg11 : memref<80xf32, #tpu.memory_space<vmem>>) target(%dma_start3A_47 : memref<10240xf32, #tpu.memory_space<vmem_shared>>) offsets(%dma_start3A_45 : memref<80xi32, #tpu.memory_space<vmem>>) semaphore(%arg14 : memref<!tpu.dma_semaphore, #tpu.memory_space<semaphore_mem>>) {add = true}
      %dma_start3A_48 = arith.constant 0 : i32
      %dma_start3A_49 = tpu.memref_slice %arg10[%scan3A_43, %dma_start3A_48] : memref<125x80xf32, #tpu.memory_space<vmem>> -> memref<1x80xf32, #tpu.memory_space<vmem>>
      %dma_start3A_50 = tpu.memref_squeeze %dma_start3A_49 : memref<1x80xf32, #tpu.memory_space<vmem>> -> memref<80xf32, #tpu.memory_space<vmem>>
      %dma_start3A_51 = arith.constant 0 : i32
      %dma_start3A_52 = tpu.memref_slice %arg8[%scan3A_43, %dma_start3A_51] : memref<125x80xi32, #tpu.memory_space<vmem>> -> memref<1x80xi32, #tpu.memory_space<vmem>>
      %dma_start3A_53 = tpu.memref_squeeze %dma_start3A_52 : memref<1x80xi32, #tpu.memory_space<vmem>> -> memref<80xi32, #tpu.memory_space<vmem>>
      %dma_start3A_54 = arith.constant 0 : i32
      %dma_start3A_55 = tpu.memref_slice %arg13[%dma_start3A_54] : memref<10240xf32, #tpu.memory_space<vmem_shared>> -> memref<10240xf32, #tpu.memory_space<vmem_shared>>
      tpu.enqueue_indirect_dma source(%dma_start3A_50 : memref<80xf32, #tpu.memory_space<vmem>>) target(%dma_start3A_55 : memref<10240xf32, #tpu.memory_space<vmem_shared>>) offsets(%dma_start3A_53 : memref<80xi32, #tpu.memory_space<vmem>>) semaphore(%arg14 : memref<!tpu.dma_semaphore, #tpu.memory_space<semaphore_mem>>) {add = true}
    }
    %scan3A_35 = arith.constant 125 : i32
    %scan3A_36 = arith.constant 0 : i32
    %scan3A_37 = arith.constant 0 : i32
    %scan3A_38 = arith.constant 125 : i32
    %scan3A_39 = arith.addi %scan3A_37, %scan3A_38 : i32
    %scan3A_40 = arith.constant 1 : i32
    scf.for %scan3A_43 = %scan3A_37 to %scan3A_39 step %scan3A_40  : i32 {
      %dma_wait3A = arith.constant 0 : i32
      %dma_wait3A_44 = tpu.memref_slice %arg9[%scan3A_43, %dma_wait3A] : memref<125x80xi32, #tpu.memory_space<vmem>> -> memref<1x80xi32, #tpu.memory_space<vmem>>
      %dma_wait3A_45 = tpu.memref_squeeze %dma_wait3A_44 : memref<1x80xi32, #tpu.memory_space<vmem>> -> memref<80xi32, #tpu.memory_space<vmem>>
      %dma_wait3A_46 = arith.constant 0 : i32
      %dma_wait3A_47 = tpu.memref_slice %arg12[%dma_wait3A_46] : memref<10240xf32, #tpu.memory_space<vmem_shared>> -> memref<10240xf32, #tpu.memory_space<vmem_shared>>
      tpu.wait_indirect_dma semaphore(%arg14 : memref<!tpu.dma_semaphore, #tpu.memory_space<semaphore_mem>>) src(%arg11 : memref<80xf32, #tpu.memory_space<vmem>>) dst(%dma_wait3A_47 : memref<10240xf32, #tpu.memory_space<vmem_shared>>)
      %dma_wait3A_48 = arith.constant 0 : i32
      %dma_wait3A_49 = tpu.memref_slice %arg10[%scan3A_43, %dma_wait3A_48] : memref<125x80xf32, #tpu.memory_space<vmem>> -> memref<1x80xf32, #tpu.memory_space<vmem>>
      %dma_wait3A_50 = tpu.memref_squeeze %dma_wait3A_49 : memref<1x80xf32, #tpu.memory_space<vmem>> -> memref<80xf32, #tpu.memory_space<vmem>>
      %dma_wait3A_51 = arith.constant 0 : i32
      %dma_wait3A_52 = tpu.memref_slice %arg8[%scan3A_43, %dma_wait3A_51] : memref<125x80xi32, #tpu.memory_space<vmem>> -> memref<1x80xi32, #tpu.memory_space<vmem>>
      %dma_wait3A_53 = tpu.memref_squeeze %dma_wait3A_52 : memref<1x80xi32, #tpu.memory_space<vmem>> -> memref<80xi32, #tpu.memory_space<vmem>>
      %dma_wait3A_54 = arith.constant 0 : i32
      %dma_wait3A_55 = tpu.memref_slice %arg13[%dma_wait3A_54] : memref<10240xf32, #tpu.memory_space<vmem_shared>> -> memref<10240xf32, #tpu.memory_space<vmem_shared>>
      tpu.wait_indirect_dma semaphore(%arg14 : memref<!tpu.dma_semaphore, #tpu.memory_space<semaphore_mem>>) src(%dma_wait3A_50 : memref<80xf32, #tpu.memory_space<vmem>>) dst(%dma_wait3A_55 : memref<10240xf32, #tpu.memory_space<vmem_shared>>)
    }
    %scan3A_41 = arith.constant 125 : i32
    %barrier3A_42 = arith.constant 0 : index
    tpu.barrier barrier_id(%barrier3A_42)
    "tpu.region"() ({
      %run_scoped3A = tpu.sem_alloc : memref<!tpu.dma_semaphore, #tpu.memory_space<semaphore_mem>>
      %dma_start3A = tpu.memref_slice %arg6[%arg0, %mul3A_2] : memref<2x10240xf32, #tpu.memory_space<hbm>> -> memref<1x640xf32, #tpu.memory_space<hbm>>
      %dma_start3A_43 = tpu.memref_squeeze %dma_start3A : memref<1x640xf32, #tpu.memory_space<hbm>> -> memref<640xf32, #tpu.memory_space<hbm>>
      %dma_start3A_44 = tpu.memref_slice %arg12[%mul3A_2] : memref<10240xf32, #tpu.memory_space<vmem_shared>> -> memref<640xf32, #tpu.memory_space<vmem_shared>>
      tpu.enqueue_dma source(%dma_start3A_44 : memref<640xf32, #tpu.memory_space<vmem_shared>>) target(%dma_start3A_43 : memref<640xf32, #tpu.memory_space<hbm>>) target_semaphore(%run_scoped3A : memref<!tpu.dma_semaphore, #tpu.memory_space<semaphore_mem>>)
      %dma_wait3A = tpu.memref_slice %arg6[%arg0, %mul3A_2] : memref<2x10240xf32, #tpu.memory_space<hbm>> -> memref<1x640xf32, #tpu.memory_space<hbm>>
      %dma_wait3A_45 = tpu.memref_squeeze %dma_wait3A : memref<1x640xf32, #tpu.memory_space<hbm>> -> memref<640xf32, #tpu.memory_space<hbm>>
      %dma_wait3A_46 = tpu.memref_slice %arg12[%mul3A_2] : memref<10240xf32, #tpu.memory_space<vmem_shared>> -> memref<640xf32, #tpu.memory_space<vmem_shared>>
      tpu.wait_dma2 semaphore(%run_scoped3A : memref<!tpu.dma_semaphore, #tpu.memory_space<semaphore_mem>>) src(%dma_wait3A_46 : memref<640xf32, #tpu.memory_space<vmem_shared>>) dst(%dma_wait3A_45 : memref<640xf32, #tpu.memory_space<hbm>>)
      tpu.yield
    }) : () -> ()
    "tpu.region"() ({
      %run_scoped3A = tpu.sem_alloc : memref<!tpu.dma_semaphore, #tpu.memory_space<semaphore_mem>>
      %dma_start3A = tpu.memref_slice %arg7[%arg0, %mul3A_2] : memref<2x10240xf32, #tpu.memory_space<hbm>> -> memref<1x640xf32, #tpu.memory_space<hbm>>
      %dma_start3A_43 = tpu.memref_squeeze %dma_start3A : memref<1x640xf32, #tpu.memory_space<hbm>> -> memref<640xf32, #tpu.memory_space<hbm>>
      %dma_start3A_44 = tpu.memref_slice %arg13[%mul3A_2] : memref<10240xf32, #tpu.memory_space<vmem_shared>> -> memref<640xf32, #tpu.memory_space<vmem_shared>>
      tpu.enqueue_dma source(%dma_start3A_44 : memref<640xf32, #tpu.memory_space<vmem_shared>>) target(%dma_start3A_43 : memref<640xf32, #tpu.memory_space<hbm>>) target_semaphore(%run_scoped3A : memref<!tpu.dma_semaphore, #tpu.memory_space<semaphore_mem>>)
      %dma_wait3A = tpu.memref_slice %arg7[%arg0, %mul3A_2] : memref<2x10240xf32, #tpu.memory_space<hbm>> -> memref<1x640xf32, #tpu.memory_space<hbm>>
      %dma_wait3A_45 = tpu.memref_squeeze %dma_wait3A : memref<1x640xf32, #tpu.memory_space<hbm>> -> memref<640xf32, #tpu.memory_space<hbm>>
      %dma_wait3A_46 = tpu.memref_slice %arg13[%mul3A_2] : memref<10240xf32, #tpu.memory_space<vmem_shared>> -> memref<640xf32, #tpu.memory_space<vmem_shared>>
      tpu.wait_dma2 semaphore(%run_scoped3A : memref<!tpu.dma_semaphore, #tpu.memory_space<semaphore_mem>>) src(%dma_wait3A_46 : memref<640xf32, #tpu.memory_space<vmem_shared>>) dst(%dma_wait3A_45 : memref<640xf32, #tpu.memory_space<hbm>>)
      tpu.yield
    }) : () -> ()
    return
  }
}

#map = affine_map<(d0, d1) -> (0, 0, 0)>
#map1 = affine_map<(d0, d1) -> (0)>
#map2 = affine_map<(d0, d1) -> (0, 0)>
module attributes {stable_mosaic.version = 14 : i64} {
  func.func @k(%arg0: i32, %arg1: i32, %arg2: memref<32x125x80xi32, #tpu.memory_space<hbm>>, %arg3: memref<32x125x80xi32, #tpu.memory_space<hbm>>, %arg4: memref<10000xf32, #tpu.memory_space<hbm>>, %arg5: memref<640xf32, #tpu.memory_space<hbm>>, %arg6: memref<2x10240xf32, #tpu.memory_space<hbm>>, %arg7: memref<125x80xi32, #tpu.memory_space<vmem>>, %arg8: memref<125x80xi32, #tpu.memory_space<vmem>>, %arg9: memref<50x80xf32, #tpu.memory_space<vmem>>, %arg10: memref<10000xf32, #tpu.memory_space<vmem_shared>>, %arg11: memref<10240xf32, #tpu.memory_space<vmem_shared>>, %arg12: memref<!tpu.dma_semaphore, #tpu.memory_space<semaphore_mem>>, %arg13: memref<!tpu.dma_semaphore, #tpu.memory_space<semaphore_mem>>) attributes {dimension_semantics = [#tpu.dimension_semantics<core_parallel>, #tpu.dimension_semantics<subcore_parallel>], iteration_bounds = array<i64: 2, 16>, scalar_prefetch = 0 : i64, scratch_operands = 7 : i64, tpu.core_type = #tpu.core_type<sc_vector_subcore>, window_params = [{transform_indices = #map}, {transform_indices = #map}, {transform_indices = #map1}, {transform_indices = #map1}, {transform_indices = #map2}]} {
    %mul3A = arith.constant 16 : i32
    %mul3A_0 = arith.muli %arg0, %mul3A : i32
    %add3A = arith.addi %mul3A_0, %arg1 : i32
    %mul3A_1 = arith.constant 640 : i32
    %mul3A_2 = arith.muli %arg1, %mul3A_1 : i32
    "tpu.region"() ({
      %run_scoped3A = tpu.sem_alloc : memref<!tpu.dma_semaphore, #tpu.memory_space<semaphore_mem>>
      %dma_start3A = tpu.memref_slice %arg11[%mul3A_2] : memref<10240xf32, #tpu.memory_space<vmem_shared>> -> memref<640xf32, #tpu.memory_space<vmem_shared>>
      tpu.enqueue_dma source(%arg5 : memref<640xf32, #tpu.memory_space<hbm>>) target(%dma_start3A : memref<640xf32, #tpu.memory_space<vmem_shared>>) target_semaphore(%run_scoped3A : memref<!tpu.dma_semaphore, #tpu.memory_space<semaphore_mem>>)
      %dma_wait3A = tpu.memref_slice %arg11[%mul3A_2] : memref<10240xf32, #tpu.memory_space<vmem_shared>> -> memref<640xf32, #tpu.memory_space<vmem_shared>>
      tpu.wait_dma2 semaphore(%run_scoped3A : memref<!tpu.dma_semaphore, #tpu.memory_space<semaphore_mem>>) src(%arg5 : memref<640xf32, #tpu.memory_space<hbm>>) dst(%dma_wait3A : memref<640xf32, #tpu.memory_space<vmem_shared>>)
      tpu.yield
    }) : () -> ()
    %eq3A = arith.constant 0 : i32
    %eq3A_3 = arith.cmpi eq, %arg1, %eq3A : i32
    %convert_element_type3A = arith.extui %eq3A_3 : i1 to i32
    %cond3A = arith.constant 0 : i32
    %cond3A_4 = arith.cmpi ne, %convert_element_type3A, %cond3A : i32
    scf.if %cond3A_4 {
      "tpu.region"() ({
        %run_scoped3A = tpu.sem_alloc : memref<!tpu.dma_semaphore, #tpu.memory_space<semaphore_mem>>
        tpu.enqueue_dma source(%arg4 : memref<10000xf32, #tpu.memory_space<hbm>>) target(%arg10 : memref<10000xf32, #tpu.memory_space<vmem_shared>>) target_semaphore(%run_scoped3A : memref<!tpu.dma_semaphore, #tpu.memory_space<semaphore_mem>>)
        tpu.wait_dma2 semaphore(%run_scoped3A : memref<!tpu.dma_semaphore, #tpu.memory_space<semaphore_mem>>) src(%arg4 : memref<10000xf32, #tpu.memory_space<hbm>>) dst(%arg10 : memref<10000xf32, #tpu.memory_space<vmem_shared>>)
        tpu.yield
      }) : () -> ()
    } else {
    }
    "tpu.region"() ({
      %run_scoped3A = tpu.sem_alloc : memref<!tpu.dma_semaphore, #tpu.memory_space<semaphore_mem>>
      %dma_start3A = arith.constant 0 : i32
      %dma_start3A_25 = arith.constant 0 : i32
      %dma_start3A_26 = tpu.memref_slice %arg2[%add3A, %dma_start3A, %dma_start3A_25] : memref<32x125x80xi32, #tpu.memory_space<hbm>> -> memref<1x125x80xi32, #tpu.memory_space<hbm>>
      %dma_start3A_27 = tpu.memref_squeeze %dma_start3A_26 : memref<1x125x80xi32, #tpu.memory_space<hbm>> -> memref<125x80xi32, #tpu.memory_space<hbm>>
      %dma_start3A_28 = arith.constant 0 : i32
      %dma_start3A_29 = arith.constant 0 : i32
      %dma_start3A_30 = tpu.memref_slice %arg2[%add3A, %dma_start3A_28, %dma_start3A_29] : memref<32x125x80xi32, #tpu.memory_space<hbm>> -> memref<1x125x80xi32, #tpu.memory_space<hbm>>
      %dma_start3A_31 = tpu.memref_squeeze %dma_start3A_30 : memref<1x125x80xi32, #tpu.memory_space<hbm>> -> memref<125x80xi32, #tpu.memory_space<hbm>>
      tpu.enqueue_dma source(%dma_start3A_31 : memref<125x80xi32, #tpu.memory_space<hbm>>) target(%arg7 : memref<125x80xi32, #tpu.memory_space<vmem>>) target_semaphore(%run_scoped3A : memref<!tpu.dma_semaphore, #tpu.memory_space<semaphore_mem>>)
      %dma_wait3A = arith.constant 0 : i32
      %dma_wait3A_32 = arith.constant 0 : i32
      %dma_wait3A_33 = tpu.memref_slice %arg2[%add3A, %dma_wait3A, %dma_wait3A_32] : memref<32x125x80xi32, #tpu.memory_space<hbm>> -> memref<1x125x80xi32, #tpu.memory_space<hbm>>
      %dma_wait3A_34 = tpu.memref_squeeze %dma_wait3A_33 : memref<1x125x80xi32, #tpu.memory_space<hbm>> -> memref<125x80xi32, #tpu.memory_space<hbm>>
      %dma_wait3A_35 = arith.constant 0 : i32
      %dma_wait3A_36 = arith.constant 0 : i32
      %dma_wait3A_37 = tpu.memref_slice %arg2[%add3A, %dma_wait3A_35, %dma_wait3A_36] : memref<32x125x80xi32, #tpu.memory_space<hbm>> -> memref<1x125x80xi32, #tpu.memory_space<hbm>>
      %dma_wait3A_38 = tpu.memref_squeeze %dma_wait3A_37 : memref<1x125x80xi32, #tpu.memory_space<hbm>> -> memref<125x80xi32, #tpu.memory_space<hbm>>
      tpu.wait_dma2 semaphore(%run_scoped3A : memref<!tpu.dma_semaphore, #tpu.memory_space<semaphore_mem>>) src(%dma_wait3A_38 : memref<125x80xi32, #tpu.memory_space<hbm>>) dst(%arg7 : memref<125x80xi32, #tpu.memory_space<vmem>>)
      tpu.yield
    }) : () -> ()
    "tpu.region"() ({
      %run_scoped3A = tpu.sem_alloc : memref<!tpu.dma_semaphore, #tpu.memory_space<semaphore_mem>>
      %dma_start3A = arith.constant 0 : i32
      %dma_start3A_25 = arith.constant 0 : i32
      %dma_start3A_26 = tpu.memref_slice %arg3[%add3A, %dma_start3A, %dma_start3A_25] : memref<32x125x80xi32, #tpu.memory_space<hbm>> -> memref<1x125x80xi32, #tpu.memory_space<hbm>>
      %dma_start3A_27 = tpu.memref_squeeze %dma_start3A_26 : memref<1x125x80xi32, #tpu.memory_space<hbm>> -> memref<125x80xi32, #tpu.memory_space<hbm>>
      %dma_start3A_28 = arith.constant 0 : i32
      %dma_start3A_29 = arith.constant 0 : i32
      %dma_start3A_30 = tpu.memref_slice %arg3[%add3A, %dma_start3A_28, %dma_start3A_29] : memref<32x125x80xi32, #tpu.memory_space<hbm>> -> memref<1x125x80xi32, #tpu.memory_space<hbm>>
      %dma_start3A_31 = tpu.memref_squeeze %dma_start3A_30 : memref<1x125x80xi32, #tpu.memory_space<hbm>> -> memref<125x80xi32, #tpu.memory_space<hbm>>
      tpu.enqueue_dma source(%dma_start3A_31 : memref<125x80xi32, #tpu.memory_space<hbm>>) target(%arg8 : memref<125x80xi32, #tpu.memory_space<vmem>>) target_semaphore(%run_scoped3A : memref<!tpu.dma_semaphore, #tpu.memory_space<semaphore_mem>>)
      %dma_wait3A = arith.constant 0 : i32
      %dma_wait3A_32 = arith.constant 0 : i32
      %dma_wait3A_33 = tpu.memref_slice %arg3[%add3A, %dma_wait3A, %dma_wait3A_32] : memref<32x125x80xi32, #tpu.memory_space<hbm>> -> memref<1x125x80xi32, #tpu.memory_space<hbm>>
      %dma_wait3A_34 = tpu.memref_squeeze %dma_wait3A_33 : memref<1x125x80xi32, #tpu.memory_space<hbm>> -> memref<125x80xi32, #tpu.memory_space<hbm>>
      %dma_wait3A_35 = arith.constant 0 : i32
      %dma_wait3A_36 = arith.constant 0 : i32
      %dma_wait3A_37 = tpu.memref_slice %arg3[%add3A, %dma_wait3A_35, %dma_wait3A_36] : memref<32x125x80xi32, #tpu.memory_space<hbm>> -> memref<1x125x80xi32, #tpu.memory_space<hbm>>
      %dma_wait3A_38 = tpu.memref_squeeze %dma_wait3A_37 : memref<1x125x80xi32, #tpu.memory_space<hbm>> -> memref<125x80xi32, #tpu.memory_space<hbm>>
      tpu.wait_dma2 semaphore(%run_scoped3A : memref<!tpu.dma_semaphore, #tpu.memory_space<semaphore_mem>>) src(%dma_wait3A_38 : memref<125x80xi32, #tpu.memory_space<hbm>>) dst(%arg8 : memref<125x80xi32, #tpu.memory_space<vmem>>)
      tpu.yield
    }) : () -> ()
    %barrier3A = arith.constant 0 : index
    tpu.barrier barrier_id(%barrier3A)
    %scan3A = arith.constant 0 : i32
    %scan3A_5 = arith.constant 0 : i32
    %scan3A_6 = arith.constant 25 : i32
    %scan3A_7 = arith.addi %scan3A_5, %scan3A_6 : i32
    %scan3A_8 = arith.constant 1 : i32
    scf.for %scan3A_25 = %scan3A_5 to %scan3A_7 step %scan3A_8  : i32 {
      %add3A_26 = arith.constant 0 : i32
      %add3A_27 = arith.addi %add3A_26, %scan3A_25 : i32
      %add3A_28 = arith.constant 0 : i32
      %add3A_29 = arith.addi %add3A_28, %scan3A_25 : i32
      %dma_start3A = arith.constant 0 : i32
      %dma_start3A_30 = tpu.memref_slice %arg9[%add3A_29, %dma_start3A] : memref<50x80xf32, #tpu.memory_space<vmem>> -> memref<1x80xf32, #tpu.memory_space<vmem>>
      %dma_start3A_31 = tpu.memref_squeeze %dma_start3A_30 : memref<1x80xf32, #tpu.memory_space<vmem>> -> memref<80xf32, #tpu.memory_space<vmem>>
      %dma_start3A_32 = arith.constant 0 : i32
      %dma_start3A_33 = tpu.memref_slice %arg7[%add3A_27, %dma_start3A_32] : memref<125x80xi32, #tpu.memory_space<vmem>> -> memref<1x80xi32, #tpu.memory_space<vmem>>
      %dma_start3A_34 = tpu.memref_squeeze %dma_start3A_33 : memref<1x80xi32, #tpu.memory_space<vmem>> -> memref<80xi32, #tpu.memory_space<vmem>>
      %dma_start3A_35 = arith.constant 0 : i32
      %dma_start3A_36 = tpu.memref_slice %arg10[%dma_start3A_35] : memref<10000xf32, #tpu.memory_space<vmem_shared>> -> memref<10000xf32, #tpu.memory_space<vmem_shared>>
      tpu.enqueue_indirect_dma source(%dma_start3A_36 : memref<10000xf32, #tpu.memory_space<vmem_shared>>) target(%dma_start3A_31 : memref<80xf32, #tpu.memory_space<vmem>>) offsets(%dma_start3A_34 : memref<80xi32, #tpu.memory_space<vmem>>) semaphore(%arg12 : memref<!tpu.dma_semaphore, #tpu.memory_space<semaphore_mem>>)
    }
    %scan3A_9 = arith.constant 25 : i32
    %scan3A_10 = arith.constant 0 : i32
    %scan3A_11 = arith.constant 0 : i32
    %scan3A_12 = arith.constant 5 : i32
    %scan3A_13 = arith.addi %scan3A_11, %scan3A_12 : i32
    %scan3A_14 = arith.constant 1 : i32
    scf.for %scan3A_25 = %scan3A_11 to %scan3A_13 step %scan3A_14  : i32 {
      %rem3A_26 = arith.constant 2 : i32
      %rem3A_27 = arith.remsi %scan3A_25, %rem3A_26 : i32
      %scan3A_28 = arith.constant 0 : i32
      %scan3A_29 = arith.constant 0 : i32
      %scan3A_30 = arith.constant 25 : i32
      %scan3A_31 = arith.addi %scan3A_29, %scan3A_30 : i32
      %scan3A_32 = arith.constant 1 : i32
      scf.for %scan3A_48 = %scan3A_29 to %scan3A_31 step %scan3A_32  : i32 {
        %mul3A_49 = arith.constant 25 : i32
        %mul3A_50 = arith.muli %scan3A_25, %mul3A_49 : i32
        %add3A_51 = arith.addi %mul3A_50, %scan3A_48 : i32
        %mul3A_52 = arith.constant 25 : i32
        %mul3A_53 = arith.muli %rem3A_27, %mul3A_52 : i32
        %add3A_54 = arith.addi %mul3A_53, %scan3A_48 : i32
        %dma_wait3A = arith.constant 0 : i32
        %dma_wait3A_55 = tpu.memref_slice %arg9[%add3A_54, %dma_wait3A] : memref<50x80xf32, #tpu.memory_space<vmem>> -> memref<1x80xf32, #tpu.memory_space<vmem>>
        %dma_wait3A_56 = tpu.memref_squeeze %dma_wait3A_55 : memref<1x80xf32, #tpu.memory_space<vmem>> -> memref<80xf32, #tpu.memory_space<vmem>>
        %dma_wait3A_57 = arith.constant 0 : i32
        %dma_wait3A_58 = tpu.memref_slice %arg7[%add3A_51, %dma_wait3A_57] : memref<125x80xi32, #tpu.memory_space<vmem>> -> memref<1x80xi32, #tpu.memory_space<vmem>>
        %dma_wait3A_59 = tpu.memref_squeeze %dma_wait3A_58 : memref<1x80xi32, #tpu.memory_space<vmem>> -> memref<80xi32, #tpu.memory_space<vmem>>
        %dma_wait3A_60 = arith.constant 0 : i32
        %dma_wait3A_61 = tpu.memref_slice %arg10[%dma_wait3A_60] : memref<10000xf32, #tpu.memory_space<vmem_shared>> -> memref<10000xf32, #tpu.memory_space<vmem_shared>>
        tpu.wait_indirect_dma semaphore(%arg12 : memref<!tpu.dma_semaphore, #tpu.memory_space<semaphore_mem>>) src(%dma_wait3A_61 : memref<10000xf32, #tpu.memory_space<vmem_shared>>) dst(%dma_wait3A_56 : memref<80xf32, #tpu.memory_space<vmem>>)
      }
      %scan3A_33 = arith.constant 25 : i32
      %scan3A_34 = arith.constant 0 : i32
      %scan3A_35 = arith.constant 0 : i32
      %scan3A_36 = arith.constant 25 : i32
      %scan3A_37 = arith.addi %scan3A_35, %scan3A_36 : i32
      %scan3A_38 = arith.constant 1 : i32
      scf.for %scan3A_48 = %scan3A_35 to %scan3A_37 step %scan3A_38  : i32 {
        %mul3A_49 = arith.constant 25 : i32
        %mul3A_50 = arith.muli %rem3A_27, %mul3A_49 : i32
        %add3A_51 = arith.addi %mul3A_50, %scan3A_48 : i32
        %mul3A_52 = arith.constant 25 : i32
        %mul3A_53 = arith.muli %scan3A_25, %mul3A_52 : i32
        %add3A_54 = arith.addi %mul3A_53, %scan3A_48 : i32
        %dma_start3A = arith.constant 0 : i32
        %dma_start3A_55 = tpu.memref_slice %arg9[%add3A_51, %dma_start3A] : memref<50x80xf32, #tpu.memory_space<vmem>> -> memref<1x80xf32, #tpu.memory_space<vmem>>
        %dma_start3A_56 = tpu.memref_squeeze %dma_start3A_55 : memref<1x80xf32, #tpu.memory_space<vmem>> -> memref<80xf32, #tpu.memory_space<vmem>>
        %dma_start3A_57 = arith.constant 0 : i32
        %dma_start3A_58 = tpu.memref_slice %arg8[%add3A_54, %dma_start3A_57] : memref<125x80xi32, #tpu.memory_space<vmem>> -> memref<1x80xi32, #tpu.memory_space<vmem>>
        %dma_start3A_59 = tpu.memref_squeeze %dma_start3A_58 : memref<1x80xi32, #tpu.memory_space<vmem>> -> memref<80xi32, #tpu.memory_space<vmem>>
        %dma_start3A_60 = arith.constant 0 : i32
        %dma_start3A_61 = tpu.memref_slice %arg11[%dma_start3A_60] : memref<10240xf32, #tpu.memory_space<vmem_shared>> -> memref<10240xf32, #tpu.memory_space<vmem_shared>>
        tpu.enqueue_indirect_dma source(%dma_start3A_56 : memref<80xf32, #tpu.memory_space<vmem>>) target(%dma_start3A_61 : memref<10240xf32, #tpu.memory_space<vmem_shared>>) offsets(%dma_start3A_59 : memref<80xi32, #tpu.memory_space<vmem>>) semaphore(%arg13 : memref<!tpu.dma_semaphore, #tpu.memory_space<semaphore_mem>>) {add = true}
      }
      %scan3A_39 = arith.constant 25 : i32
      %gt3A = arith.constant 0 : i32
      %gt3A_40 = arith.cmpi sgt, %scan3A_25, %gt3A : i32
      %convert_element_type3A_41 = arith.extui %gt3A_40 : i1 to i32
      %cond3A_42 = arith.constant 0 : i32
      %cond3A_43 = arith.cmpi ne, %convert_element_type3A_41, %cond3A_42 : i32
      scf.if %cond3A_43 {
        %sub3A = arith.constant 1 : i32
        %sub3A_48 = arith.subi %scan3A_25, %sub3A : i32
        %sub3A_49 = arith.constant 1 : i32
        %sub3A_50 = arith.subi %sub3A_49, %rem3A_27 : i32
        %scan3A_51 = arith.constant 0 : i32
        %scan3A_52 = arith.constant 0 : i32
        %scan3A_53 = arith.constant 25 : i32
        %scan3A_54 = arith.addi %scan3A_52, %scan3A_53 : i32
        %scan3A_55 = arith.constant 1 : i32
        scf.for %scan3A_57 = %scan3A_52 to %scan3A_54 step %scan3A_55  : i32 {
          %mul3A_58 = arith.constant 25 : i32
          %mul3A_59 = arith.muli %sub3A_50, %mul3A_58 : i32
          %add3A_60 = arith.addi %mul3A_59, %scan3A_57 : i32
          %mul3A_61 = arith.constant 25 : i32
          %mul3A_62 = arith.muli %sub3A_48, %mul3A_61 : i32
          %add3A_63 = arith.addi %mul3A_62, %scan3A_57 : i32
          %dma_wait3A = arith.constant 0 : i32
          %dma_wait3A_64 = tpu.memref_slice %arg9[%add3A_60, %dma_wait3A] : memref<50x80xf32, #tpu.memory_space<vmem>> -> memref<1x80xf32, #tpu.memory_space<vmem>>
          %dma_wait3A_65 = tpu.memref_squeeze %dma_wait3A_64 : memref<1x80xf32, #tpu.memory_space<vmem>> -> memref<80xf32, #tpu.memory_space<vmem>>
          %dma_wait3A_66 = arith.constant 0 : i32
          %dma_wait3A_67 = tpu.memref_slice %arg8[%add3A_63, %dma_wait3A_66] : memref<125x80xi32, #tpu.memory_space<vmem>> -> memref<1x80xi32, #tpu.memory_space<vmem>>
          %dma_wait3A_68 = tpu.memref_squeeze %dma_wait3A_67 : memref<1x80xi32, #tpu.memory_space<vmem>> -> memref<80xi32, #tpu.memory_space<vmem>>
          %dma_wait3A_69 = arith.constant 0 : i32
          %dma_wait3A_70 = tpu.memref_slice %arg11[%dma_wait3A_69] : memref<10240xf32, #tpu.memory_space<vmem_shared>> -> memref<10240xf32, #tpu.memory_space<vmem_shared>>
          tpu.wait_indirect_dma semaphore(%arg13 : memref<!tpu.dma_semaphore, #tpu.memory_space<semaphore_mem>>) src(%dma_wait3A_65 : memref<80xf32, #tpu.memory_space<vmem>>) dst(%dma_wait3A_70 : memref<10240xf32, #tpu.memory_space<vmem_shared>>)
        }
        %scan3A_56 = arith.constant 25 : i32
      } else {
      }
      %lt3A = arith.constant 4 : i32
      %lt3A_44 = arith.cmpi slt, %scan3A_25, %lt3A : i32
      %convert_element_type3A_45 = arith.extui %lt3A_44 : i1 to i32
      %cond3A_46 = arith.constant 0 : i32
      %cond3A_47 = arith.cmpi ne, %convert_element_type3A_45, %cond3A_46 : i32
      scf.if %cond3A_47 {
        %add3A_48 = arith.constant 1 : i32
        %add3A_49 = arith.addi %scan3A_25, %add3A_48 : i32
        %sub3A = arith.constant 1 : i32
        %sub3A_50 = arith.subi %sub3A, %rem3A_27 : i32
        %scan3A_51 = arith.constant 0 : i32
        %scan3A_52 = arith.constant 0 : i32
        %scan3A_53 = arith.constant 25 : i32
        %scan3A_54 = arith.addi %scan3A_52, %scan3A_53 : i32
        %scan3A_55 = arith.constant 1 : i32
        scf.for %scan3A_57 = %scan3A_52 to %scan3A_54 step %scan3A_55  : i32 {
          %mul3A_58 = arith.constant 25 : i32
          %mul3A_59 = arith.muli %add3A_49, %mul3A_58 : i32
          %add3A_60 = arith.addi %mul3A_59, %scan3A_57 : i32
          %mul3A_61 = arith.constant 25 : i32
          %mul3A_62 = arith.muli %sub3A_50, %mul3A_61 : i32
          %add3A_63 = arith.addi %mul3A_62, %scan3A_57 : i32
          %dma_start3A = arith.constant 0 : i32
          %dma_start3A_64 = tpu.memref_slice %arg9[%add3A_63, %dma_start3A] : memref<50x80xf32, #tpu.memory_space<vmem>> -> memref<1x80xf32, #tpu.memory_space<vmem>>
          %dma_start3A_65 = tpu.memref_squeeze %dma_start3A_64 : memref<1x80xf32, #tpu.memory_space<vmem>> -> memref<80xf32, #tpu.memory_space<vmem>>
          %dma_start3A_66 = arith.constant 0 : i32
          %dma_start3A_67 = tpu.memref_slice %arg7[%add3A_60, %dma_start3A_66] : memref<125x80xi32, #tpu.memory_space<vmem>> -> memref<1x80xi32, #tpu.memory_space<vmem>>
          %dma_start3A_68 = tpu.memref_squeeze %dma_start3A_67 : memref<1x80xi32, #tpu.memory_space<vmem>> -> memref<80xi32, #tpu.memory_space<vmem>>
          %dma_start3A_69 = arith.constant 0 : i32
          %dma_start3A_70 = tpu.memref_slice %arg10[%dma_start3A_69] : memref<10000xf32, #tpu.memory_space<vmem_shared>> -> memref<10000xf32, #tpu.memory_space<vmem_shared>>
          tpu.enqueue_indirect_dma source(%dma_start3A_70 : memref<10000xf32, #tpu.memory_space<vmem_shared>>) target(%dma_start3A_65 : memref<80xf32, #tpu.memory_space<vmem>>) offsets(%dma_start3A_68 : memref<80xi32, #tpu.memory_space<vmem>>) semaphore(%arg12 : memref<!tpu.dma_semaphore, #tpu.memory_space<semaphore_mem>>)
        }
        %scan3A_56 = arith.constant 25 : i32
      } else {
      }
    }
    %scan3A_15 = arith.constant 5 : i32
    %rem3A = arith.constant 4 : i32
    %rem3A_16 = arith.constant 2 : i32
    %rem3A_17 = arith.remsi %rem3A, %rem3A_16 : i32
    %scan3A_18 = arith.constant 0 : i32
    %scan3A_19 = arith.constant 0 : i32
    %scan3A_20 = arith.constant 25 : i32
    %scan3A_21 = arith.addi %scan3A_19, %scan3A_20 : i32
    %scan3A_22 = arith.constant 1 : i32
    scf.for %scan3A_25 = %scan3A_19 to %scan3A_21 step %scan3A_22  : i32 {
      %mul3A_26 = arith.constant 25 : i32
      %mul3A_27 = arith.muli %rem3A_17, %mul3A_26 : i32
      %add3A_28 = arith.addi %mul3A_27, %scan3A_25 : i32
      %add3A_29 = arith.constant 100 : i32
      %add3A_30 = arith.addi %add3A_29, %scan3A_25 : i32
      %dma_wait3A = arith.constant 0 : i32
      %dma_wait3A_31 = tpu.memref_slice %arg9[%add3A_28, %dma_wait3A] : memref<50x80xf32, #tpu.memory_space<vmem>> -> memref<1x80xf32, #tpu.memory_space<vmem>>
      %dma_wait3A_32 = tpu.memref_squeeze %dma_wait3A_31 : memref<1x80xf32, #tpu.memory_space<vmem>> -> memref<80xf32, #tpu.memory_space<vmem>>
      %dma_wait3A_33 = arith.constant 0 : i32
      %dma_wait3A_34 = tpu.memref_slice %arg8[%add3A_30, %dma_wait3A_33] : memref<125x80xi32, #tpu.memory_space<vmem>> -> memref<1x80xi32, #tpu.memory_space<vmem>>
      %dma_wait3A_35 = tpu.memref_squeeze %dma_wait3A_34 : memref<1x80xi32, #tpu.memory_space<vmem>> -> memref<80xi32, #tpu.memory_space<vmem>>
      %dma_wait3A_36 = arith.constant 0 : i32
      %dma_wait3A_37 = tpu.memref_slice %arg11[%dma_wait3A_36] : memref<10240xf32, #tpu.memory_space<vmem_shared>> -> memref<10240xf32, #tpu.memory_space<vmem_shared>>
      tpu.wait_indirect_dma semaphore(%arg13 : memref<!tpu.dma_semaphore, #tpu.memory_space<semaphore_mem>>) src(%dma_wait3A_32 : memref<80xf32, #tpu.memory_space<vmem>>) dst(%dma_wait3A_37 : memref<10240xf32, #tpu.memory_space<vmem_shared>>)
    }
    %scan3A_23 = arith.constant 25 : i32
    %barrier3A_24 = arith.constant 0 : index
    tpu.barrier barrier_id(%barrier3A_24)
    "tpu.region"() ({
      %run_scoped3A = tpu.sem_alloc : memref<!tpu.dma_semaphore, #tpu.memory_space<semaphore_mem>>
      %dma_start3A = tpu.memref_slice %arg6[%arg0, %mul3A_2] : memref<2x10240xf32, #tpu.memory_space<hbm>> -> memref<1x640xf32, #tpu.memory_space<hbm>>
      %dma_start3A_25 = tpu.memref_squeeze %dma_start3A : memref<1x640xf32, #tpu.memory_space<hbm>> -> memref<640xf32, #tpu.memory_space<hbm>>
      %dma_start3A_26 = tpu.memref_slice %arg11[%mul3A_2] : memref<10240xf32, #tpu.memory_space<vmem_shared>> -> memref<640xf32, #tpu.memory_space<vmem_shared>>
      tpu.enqueue_dma source(%dma_start3A_26 : memref<640xf32, #tpu.memory_space<vmem_shared>>) target(%dma_start3A_25 : memref<640xf32, #tpu.memory_space<hbm>>) target_semaphore(%run_scoped3A : memref<!tpu.dma_semaphore, #tpu.memory_space<semaphore_mem>>)
      %dma_wait3A = tpu.memref_slice %arg6[%arg0, %mul3A_2] : memref<2x10240xf32, #tpu.memory_space<hbm>> -> memref<1x640xf32, #tpu.memory_space<hbm>>
      %dma_wait3A_27 = tpu.memref_squeeze %dma_wait3A : memref<1x640xf32, #tpu.memory_space<hbm>> -> memref<640xf32, #tpu.memory_space<hbm>>
      %dma_wait3A_28 = tpu.memref_slice %arg11[%mul3A_2] : memref<10240xf32, #tpu.memory_space<vmem_shared>> -> memref<640xf32, #tpu.memory_space<vmem_shared>>
      tpu.wait_dma2 semaphore(%run_scoped3A : memref<!tpu.dma_semaphore, #tpu.memory_space<semaphore_mem>>) src(%dma_wait3A_28 : memref<640xf32, #tpu.memory_space<vmem_shared>>) dst(%dma_wait3A_27 : memref<640xf32, #tpu.memory_space<hbm>>)
      tpu.yield
    }) : () -> ()
    return
  }
}

#map = affine_map<(d0, d1) -> (0, 0, 0)>
#map1 = affine_map<(d0, d1) -> (0, 0)>
module attributes {stable_mosaic.version = 14 : i64} {
  func.func @k(%arg0: i32, %arg1: i32, %arg2: memref<32x125x80xi32, #tpu.memory_space<hbm>>, %arg3: memref<32x125x80xi32, #tpu.memory_space<hbm>>, %arg4: memref<10000x16xf32, #tpu.memory_space<hbm>>, %arg5: memref<640x16xf32, #tpu.memory_space<hbm>>, %arg6: memref<2x10240x16xf32, #tpu.memory_space<hbm>>, %arg7: memref<125x80xi32, #tpu.memory_space<vmem>>, %arg8: memref<125x80xi32, #tpu.memory_space<vmem>>, %arg9: memref<50x80x16xf32, #tpu.memory_space<vmem>>, %arg10: memref<10240x16xf32, #tpu.memory_space<vmem_shared>>, %arg11: memref<!tpu.dma_semaphore, #tpu.memory_space<semaphore_mem>>, %arg12: memref<!tpu.dma_semaphore, #tpu.memory_space<semaphore_mem>>) attributes {dimension_semantics = [#tpu.dimension_semantics<core_parallel>, #tpu.dimension_semantics<subcore_parallel>], iteration_bounds = array<i64: 2, 16>, scalar_prefetch = 0 : i64, scratch_operands = 6 : i64, tpu.core_type = #tpu.core_type<sc_vector_subcore>, window_params = [{transform_indices = #map}, {transform_indices = #map}, {transform_indices = #map1}, {transform_indices = #map1}, {transform_indices = #map}]} {
    %mul3A = arith.constant 16 : i32
    %mul3A_0 = arith.muli %arg0, %mul3A : i32
    %add3A = arith.addi %mul3A_0, %arg1 : i32
    %mul3A_1 = arith.constant 640 : i32
    %mul3A_2 = arith.muli %arg1, %mul3A_1 : i32
    "tpu.region"() ({
      %run_scoped3A = tpu.sem_alloc : memref<!tpu.dma_semaphore, #tpu.memory_space<semaphore_mem>>
      %dma_start3A = arith.constant 0 : i32
      %dma_start3A_23 = tpu.memref_slice %arg10[%mul3A_2, %dma_start3A] : memref<10240x16xf32, #tpu.memory_space<vmem_shared>> -> memref<640x16xf32, #tpu.memory_space<vmem_shared>>
      tpu.enqueue_dma source(%arg5 : memref<640x16xf32, #tpu.memory_space<hbm>>) target(%dma_start3A_23 : memref<640x16xf32, #tpu.memory_space<vmem_shared>>) target_semaphore(%run_scoped3A : memref<!tpu.dma_semaphore, #tpu.memory_space<semaphore_mem>>)
      %dma_wait3A = arith.constant 0 : i32
      %dma_wait3A_24 = tpu.memref_slice %arg10[%mul3A_2, %dma_wait3A] : memref<10240x16xf32, #tpu.memory_space<vmem_shared>> -> memref<640x16xf32, #tpu.memory_space<vmem_shared>>
      tpu.wait_dma2 semaphore(%run_scoped3A : memref<!tpu.dma_semaphore, #tpu.memory_space<semaphore_mem>>) src(%arg5 : memref<640x16xf32, #tpu.memory_space<hbm>>) dst(%dma_wait3A_24 : memref<640x16xf32, #tpu.memory_space<vmem_shared>>)
      tpu.yield
    }) : () -> ()
    "tpu.region"() ({
      %run_scoped3A = tpu.sem_alloc : memref<!tpu.dma_semaphore, #tpu.memory_space<semaphore_mem>>
      %dma_start3A = arith.constant 0 : i32
      %dma_start3A_23 = arith.constant 0 : i32
      %dma_start3A_24 = tpu.memref_slice %arg2[%add3A, %dma_start3A, %dma_start3A_23] : memref<32x125x80xi32, #tpu.memory_space<hbm>> -> memref<1x125x80xi32, #tpu.memory_space<hbm>>
      %dma_start3A_25 = tpu.memref_squeeze %dma_start3A_24 : memref<1x125x80xi32, #tpu.memory_space<hbm>> -> memref<125x80xi32, #tpu.memory_space<hbm>>
      %dma_start3A_26 = arith.constant 0 : i32
      %dma_start3A_27 = arith.constant 0 : i32
      %dma_start3A_28 = tpu.memref_slice %arg2[%add3A, %dma_start3A_26, %dma_start3A_27] : memref<32x125x80xi32, #tpu.memory_space<hbm>> -> memref<1x125x80xi32, #tpu.memory_space<hbm>>
      %dma_start3A_29 = tpu.memref_squeeze %dma_start3A_28 : memref<1x125x80xi32, #tpu.memory_space<hbm>> -> memref<125x80xi32, #tpu.memory_space<hbm>>
      tpu.enqueue_dma source(%dma_start3A_29 : memref<125x80xi32, #tpu.memory_space<hbm>>) target(%arg7 : memref<125x80xi32, #tpu.memory_space<vmem>>) target_semaphore(%run_scoped3A : memref<!tpu.dma_semaphore, #tpu.memory_space<semaphore_mem>>)
      %dma_wait3A = arith.constant 0 : i32
      %dma_wait3A_30 = arith.constant 0 : i32
      %dma_wait3A_31 = tpu.memref_slice %arg2[%add3A, %dma_wait3A, %dma_wait3A_30] : memref<32x125x80xi32, #tpu.memory_space<hbm>> -> memref<1x125x80xi32, #tpu.memory_space<hbm>>
      %dma_wait3A_32 = tpu.memref_squeeze %dma_wait3A_31 : memref<1x125x80xi32, #tpu.memory_space<hbm>> -> memref<125x80xi32, #tpu.memory_space<hbm>>
      %dma_wait3A_33 = arith.constant 0 : i32
      %dma_wait3A_34 = arith.constant 0 : i32
      %dma_wait3A_35 = tpu.memref_slice %arg2[%add3A, %dma_wait3A_33, %dma_wait3A_34] : memref<32x125x80xi32, #tpu.memory_space<hbm>> -> memref<1x125x80xi32, #tpu.memory_space<hbm>>
      %dma_wait3A_36 = tpu.memref_squeeze %dma_wait3A_35 : memref<1x125x80xi32, #tpu.memory_space<hbm>> -> memref<125x80xi32, #tpu.memory_space<hbm>>
      tpu.wait_dma2 semaphore(%run_scoped3A : memref<!tpu.dma_semaphore, #tpu.memory_space<semaphore_mem>>) src(%dma_wait3A_36 : memref<125x80xi32, #tpu.memory_space<hbm>>) dst(%arg7 : memref<125x80xi32, #tpu.memory_space<vmem>>)
      tpu.yield
    }) : () -> ()
    "tpu.region"() ({
      %run_scoped3A = tpu.sem_alloc : memref<!tpu.dma_semaphore, #tpu.memory_space<semaphore_mem>>
      %dma_start3A = arith.constant 0 : i32
      %dma_start3A_23 = arith.constant 0 : i32
      %dma_start3A_24 = tpu.memref_slice %arg3[%add3A, %dma_start3A, %dma_start3A_23] : memref<32x125x80xi32, #tpu.memory_space<hbm>> -> memref<1x125x80xi32, #tpu.memory_space<hbm>>
      %dma_start3A_25 = tpu.memref_squeeze %dma_start3A_24 : memref<1x125x80xi32, #tpu.memory_space<hbm>> -> memref<125x80xi32, #tpu.memory_space<hbm>>
      %dma_start3A_26 = arith.constant 0 : i32
      %dma_start3A_27 = arith.constant 0 : i32
      %dma_start3A_28 = tpu.memref_slice %arg3[%add3A, %dma_start3A_26, %dma_start3A_27] : memref<32x125x80xi32, #tpu.memory_space<hbm>> -> memref<1x125x80xi32, #tpu.memory_space<hbm>>
      %dma_start3A_29 = tpu.memref_squeeze %dma_start3A_28 : memref<1x125x80xi32, #tpu.memory_space<hbm>> -> memref<125x80xi32, #tpu.memory_space<hbm>>
      tpu.enqueue_dma source(%dma_start3A_29 : memref<125x80xi32, #tpu.memory_space<hbm>>) target(%arg8 : memref<125x80xi32, #tpu.memory_space<vmem>>) target_semaphore(%run_scoped3A : memref<!tpu.dma_semaphore, #tpu.memory_space<semaphore_mem>>)
      %dma_wait3A = arith.constant 0 : i32
      %dma_wait3A_30 = arith.constant 0 : i32
      %dma_wait3A_31 = tpu.memref_slice %arg3[%add3A, %dma_wait3A, %dma_wait3A_30] : memref<32x125x80xi32, #tpu.memory_space<hbm>> -> memref<1x125x80xi32, #tpu.memory_space<hbm>>
      %dma_wait3A_32 = tpu.memref_squeeze %dma_wait3A_31 : memref<1x125x80xi32, #tpu.memory_space<hbm>> -> memref<125x80xi32, #tpu.memory_space<hbm>>
      %dma_wait3A_33 = arith.constant 0 : i32
      %dma_wait3A_34 = arith.constant 0 : i32
      %dma_wait3A_35 = tpu.memref_slice %arg3[%add3A, %dma_wait3A_33, %dma_wait3A_34] : memref<32x125x80xi32, #tpu.memory_space<hbm>> -> memref<1x125x80xi32, #tpu.memory_space<hbm>>
      %dma_wait3A_36 = tpu.memref_squeeze %dma_wait3A_35 : memref<1x125x80xi32, #tpu.memory_space<hbm>> -> memref<125x80xi32, #tpu.memory_space<hbm>>
      tpu.wait_dma2 semaphore(%run_scoped3A : memref<!tpu.dma_semaphore, #tpu.memory_space<semaphore_mem>>) src(%dma_wait3A_36 : memref<125x80xi32, #tpu.memory_space<hbm>>) dst(%arg8 : memref<125x80xi32, #tpu.memory_space<vmem>>)
      tpu.yield
    }) : () -> ()
    %barrier3A = arith.constant 0 : index
    tpu.barrier barrier_id(%barrier3A)
    %scan3A = arith.constant 0 : i32
    %scan3A_3 = arith.constant 0 : i32
    %scan3A_4 = arith.constant 25 : i32
    %scan3A_5 = arith.addi %scan3A_3, %scan3A_4 : i32
    %scan3A_6 = arith.constant 1 : i32
    scf.for %scan3A_23 = %scan3A_3 to %scan3A_5 step %scan3A_6  : i32 {
      %add3A_24 = arith.constant 0 : i32
      %add3A_25 = arith.addi %add3A_24, %scan3A_23 : i32
      %add3A_26 = arith.constant 0 : i32
      %add3A_27 = arith.addi %add3A_26, %scan3A_23 : i32
      %dma_start3A = arith.constant 0 : i32
      %dma_start3A_28 = arith.constant 0 : i32
      %dma_start3A_29 = tpu.memref_slice %arg9[%add3A_27, %dma_start3A, %dma_start3A_28] : memref<50x80x16xf32, #tpu.memory_space<vmem>> -> memref<1x80x16xf32, #tpu.memory_space<vmem>>
      %dma_start3A_30 = tpu.memref_squeeze %dma_start3A_29 : memref<1x80x16xf32, #tpu.memory_space<vmem>> -> memref<80x16xf32, #tpu.memory_space<vmem>>
      %dma_start3A_31 = arith.constant 0 : i32
      %dma_start3A_32 = tpu.memref_slice %arg7[%add3A_25, %dma_start3A_31] : memref<125x80xi32, #tpu.memory_space<vmem>> -> memref<1x80xi32, #tpu.memory_space<vmem>>
      %dma_start3A_33 = tpu.memref_squeeze %dma_start3A_32 : memref<1x80xi32, #tpu.memory_space<vmem>> -> memref<80xi32, #tpu.memory_space<vmem>>
      %dma_start3A_34 = arith.constant 0 : i32
      %dma_start3A_35 = arith.constant 0 : i32
      %dma_start3A_36 = tpu.memref_slice %arg4[%dma_start3A_34, %dma_start3A_35] : memref<10000x16xf32, #tpu.memory_space<hbm>> -> memref<10000x16xf32, #tpu.memory_space<hbm>>
      tpu.enqueue_indirect_dma source(%dma_start3A_36 : memref<10000x16xf32, #tpu.memory_space<hbm>>) target(%dma_start3A_30 : memref<80x16xf32, #tpu.memory_space<vmem>>) offsets(%dma_start3A_33 : memref<80xi32, #tpu.memory_space<vmem>>) semaphore(%arg11 : memref<!tpu.dma_semaphore, #tpu.memory_space<semaphore_mem>>)
    }
    %scan3A_7 = arith.constant 25 : i32
    %scan3A_8 = arith.constant 0 : i32
    %scan3A_9 = arith.constant 0 : i32
    %scan3A_10 = arith.constant 5 : i32
    %scan3A_11 = arith.addi %scan3A_9, %scan3A_10 : i32
    %scan3A_12 = arith.constant 1 : i32
    scf.for %scan3A_23 = %scan3A_9 to %scan3A_11 step %scan3A_12  : i32 {
      %rem3A_24 = arith.constant 2 : i32
      %rem3A_25 = arith.remsi %scan3A_23, %rem3A_24 : i32
      %scan3A_26 = arith.constant 0 : i32
      %scan3A_27 = arith.constant 0 : i32
      %scan3A_28 = arith.constant 25 : i32
      %scan3A_29 = arith.addi %scan3A_27, %scan3A_28 : i32
      %scan3A_30 = arith.constant 1 : i32
      scf.for %scan3A_44 = %scan3A_27 to %scan3A_29 step %scan3A_30  : i32 {
        %mul3A_45 = arith.constant 25 : i32
        %mul3A_46 = arith.muli %scan3A_23, %mul3A_45 : i32
        %add3A_47 = arith.addi %mul3A_46, %scan3A_44 : i32
        %mul3A_48 = arith.constant 25 : i32
        %mul3A_49 = arith.muli %rem3A_25, %mul3A_48 : i32
        %add3A_50 = arith.addi %mul3A_49, %scan3A_44 : i32
        %dma_wait3A = arith.constant 0 : i32
        %dma_wait3A_51 = arith.constant 0 : i32
        %dma_wait3A_52 = tpu.memref_slice %arg9[%add3A_50, %dma_wait3A, %dma_wait3A_51] : memref<50x80x16xf32, #tpu.memory_space<vmem>> -> memref<1x80x16xf32, #tpu.memory_space<vmem>>
        %dma_wait3A_53 = tpu.memref_squeeze %dma_wait3A_52 : memref<1x80x16xf32, #tpu.memory_space<vmem>> -> memref<80x16xf32, #tpu.memory_space<vmem>>
        %dma_wait3A_54 = arith.constant 0 : i32
        %dma_wait3A_55 = tpu.memref_slice %arg7[%add3A_47, %dma_wait3A_54] : memref<125x80xi32, #tpu.memory_space<vmem>> -> memref<1x80xi32, #tpu.memory_space<vmem>>
        %dma_wait3A_56 = tpu.memref_squeeze %dma_wait3A_55 : memref<1x80xi32, #tpu.memory_space<vmem>> -> memref<80xi32, #tpu.memory_space<vmem>>
        %dma_wait3A_57 = arith.constant 0 : i32
        %dma_wait3A_58 = arith.constant 0 : i32
        %dma_wait3A_59 = tpu.memref_slice %arg4[%dma_wait3A_57, %dma_wait3A_58] : memref<10000x16xf32, #tpu.memory_space<hbm>> -> memref<10000x16xf32, #tpu.memory_space<hbm>>
        tpu.wait_indirect_dma semaphore(%arg11 : memref<!tpu.dma_semaphore, #tpu.memory_space<semaphore_mem>>) src(%dma_wait3A_59 : memref<10000x16xf32, #tpu.memory_space<hbm>>) dst(%dma_wait3A_53 : memref<80x16xf32, #tpu.memory_space<vmem>>)
      }
      %scan3A_31 = arith.constant 25 : i32
      %scan3A_32 = arith.constant 0 : i32
      %scan3A_33 = arith.constant 0 : i32
      %scan3A_34 = arith.constant 25 : i32
      %scan3A_35 = arith.addi %scan3A_33, %scan3A_34 : i32
      %scan3A_36 = arith.constant 1 : i32
      scf.for %scan3A_44 = %scan3A_33 to %scan3A_35 step %scan3A_36  : i32 {
        %mul3A_45 = arith.constant 25 : i32
        %mul3A_46 = arith.muli %rem3A_25, %mul3A_45 : i32
        %add3A_47 = arith.addi %mul3A_46, %scan3A_44 : i32
        %mul3A_48 = arith.constant 25 : i32
        %mul3A_49 = arith.muli %scan3A_23, %mul3A_48 : i32
        %add3A_50 = arith.addi %mul3A_49, %scan3A_44 : i32
        %dma_start3A = arith.constant 0 : i32
        %dma_start3A_51 = arith.constant 0 : i32
        %dma_start3A_52 = tpu.memref_slice %arg9[%add3A_47, %dma_start3A, %dma_start3A_51] : memref<50x80x16xf32, #tpu.memory_space<vmem>> -> memref<1x80x16xf32, #tpu.memory_space<vmem>>
        %dma_start3A_53 = tpu.memref_squeeze %dma_start3A_52 : memref<1x80x16xf32, #tpu.memory_space<vmem>> -> memref<80x16xf32, #tpu.memory_space<vmem>>
        %dma_start3A_54 = arith.constant 0 : i32
        %dma_start3A_55 = tpu.memref_slice %arg8[%add3A_50, %dma_start3A_54] : memref<125x80xi32, #tpu.memory_space<vmem>> -> memref<1x80xi32, #tpu.memory_space<vmem>>
        %dma_start3A_56 = tpu.memref_squeeze %dma_start3A_55 : memref<1x80xi32, #tpu.memory_space<vmem>> -> memref<80xi32, #tpu.memory_space<vmem>>
        %dma_start3A_57 = arith.constant 0 : i32
        %dma_start3A_58 = arith.constant 0 : i32
        %dma_start3A_59 = tpu.memref_slice %arg10[%dma_start3A_57, %dma_start3A_58] : memref<10240x16xf32, #tpu.memory_space<vmem_shared>> -> memref<10240x16xf32, #tpu.memory_space<vmem_shared>>
        tpu.enqueue_indirect_dma source(%dma_start3A_53 : memref<80x16xf32, #tpu.memory_space<vmem>>) target(%dma_start3A_59 : memref<10240x16xf32, #tpu.memory_space<vmem_shared>>) offsets(%dma_start3A_56 : memref<80xi32, #tpu.memory_space<vmem>>) semaphore(%arg12 : memref<!tpu.dma_semaphore, #tpu.memory_space<semaphore_mem>>) {add = true}
      }
      %scan3A_37 = arith.constant 25 : i32
      %gt3A = arith.constant 0 : i32
      %gt3A_38 = arith.cmpi sgt, %scan3A_23, %gt3A : i32
      %convert_element_type3A = arith.extui %gt3A_38 : i1 to i32
      %cond3A = arith.constant 0 : i32
      %cond3A_39 = arith.cmpi ne, %convert_element_type3A, %cond3A : i32
      scf.if %cond3A_39 {
        %sub3A = arith.constant 1 : i32
        %sub3A_44 = arith.subi %scan3A_23, %sub3A : i32
        %sub3A_45 = arith.constant 1 : i32
        %sub3A_46 = arith.subi %sub3A_45, %rem3A_25 : i32
        %scan3A_47 = arith.constant 0 : i32
        %scan3A_48 = arith.constant 0 : i32
        %scan3A_49 = arith.constant 25 : i32
        %scan3A_50 = arith.addi %scan3A_48, %scan3A_49 : i32
        %scan3A_51 = arith.constant 1 : i32
        scf.for %scan3A_53 = %scan3A_48 to %scan3A_50 step %scan3A_51  : i32 {
          %mul3A_54 = arith.constant 25 : i32
          %mul3A_55 = arith.muli %sub3A_46, %mul3A_54 : i32
          %add3A_56 = arith.addi %mul3A_55, %scan3A_53 : i32
          %mul3A_57 = arith.constant 25 : i32
          %mul3A_58 = arith.muli %sub3A_44, %mul3A_57 : i32
          %add3A_59 = arith.addi %mul3A_58, %scan3A_53 : i32
          %dma_wait3A = arith.constant 0 : i32
          %dma_wait3A_60 = arith.constant 0 : i32
          %dma_wait3A_61 = tpu.memref_slice %arg9[%add3A_56, %dma_wait3A, %dma_wait3A_60] : memref<50x80x16xf32, #tpu.memory_space<vmem>> -> memref<1x80x16xf32, #tpu.memory_space<vmem>>
          %dma_wait3A_62 = tpu.memref_squeeze %dma_wait3A_61 : memref<1x80x16xf32, #tpu.memory_space<vmem>> -> memref<80x16xf32, #tpu.memory_space<vmem>>
          %dma_wait3A_63 = arith.constant 0 : i32
          %dma_wait3A_64 = tpu.memref_slice %arg8[%add3A_59, %dma_wait3A_63] : memref<125x80xi32, #tpu.memory_space<vmem>> -> memref<1x80xi32, #tpu.memory_space<vmem>>
          %dma_wait3A_65 = tpu.memref_squeeze %dma_wait3A_64 : memref<1x80xi32, #tpu.memory_space<vmem>> -> memref<80xi32, #tpu.memory_space<vmem>>
          %dma_wait3A_66 = arith.constant 0 : i32
          %dma_wait3A_67 = arith.constant 0 : i32
          %dma_wait3A_68 = tpu.memref_slice %arg10[%dma_wait3A_66, %dma_wait3A_67] : memref<10240x16xf32, #tpu.memory_space<vmem_shared>> -> memref<10240x16xf32, #tpu.memory_space<vmem_shared>>
          tpu.wait_indirect_dma semaphore(%arg12 : memref<!tpu.dma_semaphore, #tpu.memory_space<semaphore_mem>>) src(%dma_wait3A_62 : memref<80x16xf32, #tpu.memory_space<vmem>>) dst(%dma_wait3A_68 : memref<10240x16xf32, #tpu.memory_space<vmem_shared>>)
        }
        %scan3A_52 = arith.constant 25 : i32
      } else {
      }
      %lt3A = arith.constant 4 : i32
      %lt3A_40 = arith.cmpi slt, %scan3A_23, %lt3A : i32
      %convert_element_type3A_41 = arith.extui %lt3A_40 : i1 to i32
      %cond3A_42 = arith.constant 0 : i32
      %cond3A_43 = arith.cmpi ne, %convert_element_type3A_41, %cond3A_42 : i32
      scf.if %cond3A_43 {
        %add3A_44 = arith.constant 1 : i32
        %add3A_45 = arith.addi %scan3A_23, %add3A_44 : i32
        %sub3A = arith.constant 1 : i32
        %sub3A_46 = arith.subi %sub3A, %rem3A_25 : i32
        %scan3A_47 = arith.constant 0 : i32
        %scan3A_48 = arith.constant 0 : i32
        %scan3A_49 = arith.constant 25 : i32
        %scan3A_50 = arith.addi %scan3A_48, %scan3A_49 : i32
        %scan3A_51 = arith.constant 1 : i32
        scf.for %scan3A_53 = %scan3A_48 to %scan3A_50 step %scan3A_51  : i32 {
          %mul3A_54 = arith.constant 25 : i32
          %mul3A_55 = arith.muli %add3A_45, %mul3A_54 : i32
          %add3A_56 = arith.addi %mul3A_55, %scan3A_53 : i32
          %mul3A_57 = arith.constant 25 : i32
          %mul3A_58 = arith.muli %sub3A_46, %mul3A_57 : i32
          %add3A_59 = arith.addi %mul3A_58, %scan3A_53 : i32
          %dma_start3A = arith.constant 0 : i32
          %dma_start3A_60 = arith.constant 0 : i32
          %dma_start3A_61 = tpu.memref_slice %arg9[%add3A_59, %dma_start3A, %dma_start3A_60] : memref<50x80x16xf32, #tpu.memory_space<vmem>> -> memref<1x80x16xf32, #tpu.memory_space<vmem>>
          %dma_start3A_62 = tpu.memref_squeeze %dma_start3A_61 : memref<1x80x16xf32, #tpu.memory_space<vmem>> -> memref<80x16xf32, #tpu.memory_space<vmem>>
          %dma_start3A_63 = arith.constant 0 : i32
          %dma_start3A_64 = tpu.memref_slice %arg7[%add3A_56, %dma_start3A_63] : memref<125x80xi32, #tpu.memory_space<vmem>> -> memref<1x80xi32, #tpu.memory_space<vmem>>
          %dma_start3A_65 = tpu.memref_squeeze %dma_start3A_64 : memref<1x80xi32, #tpu.memory_space<vmem>> -> memref<80xi32, #tpu.memory_space<vmem>>
          %dma_start3A_66 = arith.constant 0 : i32
          %dma_start3A_67 = arith.constant 0 : i32
          %dma_start3A_68 = tpu.memref_slice %arg4[%dma_start3A_66, %dma_start3A_67] : memref<10000x16xf32, #tpu.memory_space<hbm>> -> memref<10000x16xf32, #tpu.memory_space<hbm>>
          tpu.enqueue_indirect_dma source(%dma_start3A_68 : memref<10000x16xf32, #tpu.memory_space<hbm>>) target(%dma_start3A_62 : memref<80x16xf32, #tpu.memory_space<vmem>>) offsets(%dma_start3A_65 : memref<80xi32, #tpu.memory_space<vmem>>) semaphore(%arg11 : memref<!tpu.dma_semaphore, #tpu.memory_space<semaphore_mem>>)
        }
        %scan3A_52 = arith.constant 25 : i32
      } else {
      }
    }
    %scan3A_13 = arith.constant 5 : i32
    %rem3A = arith.constant 4 : i32
    %rem3A_14 = arith.constant 2 : i32
    %rem3A_15 = arith.remsi %rem3A, %rem3A_14 : i32
    %scan3A_16 = arith.constant 0 : i32
    %scan3A_17 = arith.constant 0 : i32
    %scan3A_18 = arith.constant 25 : i32
    %scan3A_19 = arith.addi %scan3A_17, %scan3A_18 : i32
    %scan3A_20 = arith.constant 1 : i32
    scf.for %scan3A_23 = %scan3A_17 to %scan3A_19 step %scan3A_20  : i32 {
      %mul3A_24 = arith.constant 25 : i32
      %mul3A_25 = arith.muli %rem3A_15, %mul3A_24 : i32
      %add3A_26 = arith.addi %mul3A_25, %scan3A_23 : i32
      %add3A_27 = arith.constant 100 : i32
      %add3A_28 = arith.addi %add3A_27, %scan3A_23 : i32
      %dma_wait3A = arith.constant 0 : i32
      %dma_wait3A_29 = arith.constant 0 : i32
      %dma_wait3A_30 = tpu.memref_slice %arg9[%add3A_26, %dma_wait3A, %dma_wait3A_29] : memref<50x80x16xf32, #tpu.memory_space<vmem>> -> memref<1x80x16xf32, #tpu.memory_space<vmem>>
      %dma_wait3A_31 = tpu.memref_squeeze %dma_wait3A_30 : memref<1x80x16xf32, #tpu.memory_space<vmem>> -> memref<80x16xf32, #tpu.memory_space<vmem>>
      %dma_wait3A_32 = arith.constant 0 : i32
      %dma_wait3A_33 = tpu.memref_slice %arg8[%add3A_28, %dma_wait3A_32] : memref<125x80xi32, #tpu.memory_space<vmem>> -> memref<1x80xi32, #tpu.memory_space<vmem>>
      %dma_wait3A_34 = tpu.memref_squeeze %dma_wait3A_33 : memref<1x80xi32, #tpu.memory_space<vmem>> -> memref<80xi32, #tpu.memory_space<vmem>>
      %dma_wait3A_35 = arith.constant 0 : i32
      %dma_wait3A_36 = arith.constant 0 : i32
      %dma_wait3A_37 = tpu.memref_slice %arg10[%dma_wait3A_35, %dma_wait3A_36] : memref<10240x16xf32, #tpu.memory_space<vmem_shared>> -> memref<10240x16xf32, #tpu.memory_space<vmem_shared>>
      tpu.wait_indirect_dma semaphore(%arg12 : memref<!tpu.dma_semaphore, #tpu.memory_space<semaphore_mem>>) src(%dma_wait3A_31 : memref<80x16xf32, #tpu.memory_space<vmem>>) dst(%dma_wait3A_37 : memref<10240x16xf32, #tpu.memory_space<vmem_shared>>)
    }
    %scan3A_21 = arith.constant 25 : i32
    %barrier3A_22 = arith.constant 0 : index
    tpu.barrier barrier_id(%barrier3A_22)
    "tpu.region"() ({
      %run_scoped3A = tpu.sem_alloc : memref<!tpu.dma_semaphore, #tpu.memory_space<semaphore_mem>>
      %dma_start3A = arith.constant 0 : i32
      %dma_start3A_23 = tpu.memref_slice %arg6[%arg0, %mul3A_2, %dma_start3A] : memref<2x10240x16xf32, #tpu.memory_space<hbm>> -> memref<1x640x16xf32, #tpu.memory_space<hbm>>
      %dma_start3A_24 = tpu.memref_squeeze %dma_start3A_23 : memref<1x640x16xf32, #tpu.memory_space<hbm>> -> memref<640x16xf32, #tpu.memory_space<hbm>>
      %dma_start3A_25 = arith.constant 0 : i32
      %dma_start3A_26 = tpu.memref_slice %arg10[%mul3A_2, %dma_start3A_25] : memref<10240x16xf32, #tpu.memory_space<vmem_shared>> -> memref<640x16xf32, #tpu.memory_space<vmem_shared>>
      tpu.enqueue_dma source(%dma_start3A_26 : memref<640x16xf32, #tpu.memory_space<vmem_shared>>) target(%dma_start3A_24 : memref<640x16xf32, #tpu.memory_space<hbm>>) target_semaphore(%run_scoped3A : memref<!tpu.dma_semaphore, #tpu.memory_space<semaphore_mem>>)
      %dma_wait3A = arith.constant 0 : i32
      %dma_wait3A_27 = tpu.memref_slice %arg6[%arg0, %mul3A_2, %dma_wait3A] : memref<2x10240x16xf32, #tpu.memory_space<hbm>> -> memref<1x640x16xf32, #tpu.memory_space<hbm>>
      %dma_wait3A_28 = tpu.memref_squeeze %dma_wait3A_27 : memref<1x640x16xf32, #tpu.memory_space<hbm>> -> memref<640x16xf32, #tpu.memory_space<hbm>>
      %dma_wait3A_29 = arith.constant 0 : i32
      %dma_wait3A_30 = tpu.memref_slice %arg10[%mul3A_2, %dma_wait3A_29] : memref<10240x16xf32, #tpu.memory_space<vmem_shared>> -> memref<640x16xf32, #tpu.memory_space<vmem_shared>>
      tpu.wait_dma2 semaphore(%run_scoped3A : memref<!tpu.dma_semaphore, #tpu.memory_space<semaphore_mem>>) src(%dma_wait3A_30 : memref<640x16xf32, #tpu.memory_space<vmem_shared>>) dst(%dma_wait3A_28 : memref<640x16xf32, #tpu.memory_space<hbm>>)
      tpu.yield
    }) : () -> ()
    return
  }
}

module attributes {stable_mosaic.version = 14 : i64} {
  func.func @body(%arg0: memref<2x320000xi32, #tpu.memory_space<vmem>>, %arg1: memref<320000xi32, #tpu.memory_space<vmem>>, %arg2: memref<320000xi32, #tpu.memory_space<vmem>>) attributes {dimension_semantics = [], scalar_prefetch = 0 : i64, scratch_operands = 0 : i64, tpu.core_type = #tpu.core_type<tc>} {
    %get3A = arith.constant 0 : index
    %get3A_0 = arith.constant 0 : index
    %get3A_1 = vector.load %arg0[%get3A, %get3A_0] : memref<2x320000xi32, #tpu.memory_space<vmem>>, vector<1x320000xi32>
    %get3A_2 = vector.shape_cast %get3A_1 : vector<1x320000xi32> to vector<320000xi32>
    %swap3A = arith.constant 0 : index
    %swap3A_3 = vector.load %arg1[%swap3A] : memref<320000xi32, #tpu.memory_space<vmem>>, vector<320000xi32>
    tpu.vector_store %arg1[%swap3A], %get3A_2 {strides = array<i32>} : memref<320000xi32, #tpu.memory_space<vmem>>, vector<320000xi32>,
    %get3A_4 = arith.constant 1 : index
    %get3A_5 = arith.constant 0 : index
    %get3A_6 = vector.load %arg0[%get3A_4, %get3A_5] : memref<2x320000xi32, #tpu.memory_space<vmem>>, vector<1x320000xi32>
    %get3A_7 = vector.shape_cast %get3A_6 : vector<1x320000xi32> to vector<320000xi32>
    %swap3A_8 = arith.constant 0 : index
    %swap3A_9 = vector.load %arg2[%swap3A_8] : memref<320000xi32, #tpu.memory_space<vmem>>, vector<320000xi32>
    tpu.vector_store %arg2[%swap3A_8], %get3A_7 {strides = array<i32>} : memref<320000xi32, #tpu.memory_space<vmem>>, vector<320000xi32>,
    return
  }
}

module attributes {stable_mosaic.version = 14 : i64} {
  func.func @body(%arg0: memref<10000x128xf32, #tpu.memory_space<vmem>>, %arg1: memref<2x10240xf32, #tpu.memory_space<vmem>>, %arg2: memref<2x10240xf32, #tpu.memory_space<vmem>>, %arg3: memref<129x16xf32, #tpu.memory_space<vmem>>, %arg4: memref<10000x16xf32, #tpu.memory_space<vmem>>, %arg5: memref<10000xf32, #tpu.memory_space<vmem>>) attributes {dimension_semantics = [], scalar_prefetch = 0 : i64, scratch_operands = 0 : i64, tpu.core_type = #tpu.core_type<tc>} {
    %get3A = arith.constant 0 : index
    %get3A_0 = arith.constant 0 : index
    %get3A_1 = vector.load %arg1[%get3A, %get3A_0] : memref<2x10240xf32, #tpu.memory_space<vmem>>, vector<1x10000xf32>
    %get3A_2 = vector.shape_cast %get3A_1 : vector<1x10000xf32> to vector<10000xf32>
    %add3A = arith.constant 1.000000e+00 : f32
    %add3A_3 = vector.broadcast %add3A : f32 to vector<10000xf32>
    %add3A_4 = arith.addf %add3A_3, %get3A_2 : vector<10000xf32>
    %get3A_5 = arith.constant 1 : index
    %get3A_6 = arith.constant 0 : index
    %get3A_7 = vector.load %arg1[%get3A_5, %get3A_6] : memref<2x10240xf32, #tpu.memory_space<vmem>>, vector<1x10000xf32>
    %get3A_8 = vector.shape_cast %get3A_7 : vector<1x10000xf32> to vector<10000xf32>
    %add3A_9 = arith.addf %add3A_4, %get3A_8 : vector<10000xf32>
    %sqrt3A = math.sqrt %add3A_9 : vector<10000xf32>
    %div3A = arith.constant 1.000000e+00 : f32
    %div3A_10 = vector.broadcast %div3A : f32 to vector<10000xf32>
    %div3A_11 = arith.divf %div3A_10, %sqrt3A : vector<10000xf32>
    %get3A_12 = arith.constant 0 : index
    %get3A_13 = arith.constant 0 : index
    %get3A_14 = vector.load %arg2[%get3A_12, %get3A_13] : memref<2x10240xf32, #tpu.memory_space<vmem>>, vector<1x10000xf32>
    %get3A_15 = vector.shape_cast %get3A_14 : vector<1x10000xf32> to vector<10000xf32>
    %get3A_16 = arith.constant 1 : index
    %get3A_17 = arith.constant 0 : index
    %get3A_18 = vector.load %arg2[%get3A_16, %get3A_17] : memref<2x10240xf32, #tpu.memory_space<vmem>>, vector<1x10000xf32>
    %get3A_19 = vector.shape_cast %get3A_18 : vector<1x10000xf32> to vector<10000xf32>
    %add3A_20 = arith.addf %get3A_15, %get3A_19 : vector<10000xf32>
    %get3A_21 = arith.constant 0 : index
    %get3A_22 = arith.constant 0 : index
    %get3A_23 = vector.load %arg0[%get3A_21, %get3A_22] : memref<10000x128xf32, #tpu.memory_space<vmem>>, vector<10000x128xf32>
    %broadcast_in_dim3A = vector.shape_cast %add3A_20 : vector<10000xf32> to vector<10000x1xf32>
    %concatenate3A = tpu.concatenate %get3A_23, %broadcast_in_dim3A in 1 : vector<10000x128xf32>, vector<10000x1xf32> -> vector<10000x129xf32>
    %get3A_24 = arith.constant 0 : index
    %get3A_25 = arith.constant 0 : index
    %get3A_26 = vector.load %arg3[%get3A_24, %get3A_25] : memref<129x16xf32, #tpu.memory_space<vmem>>, vector<129x16xf32>
    %dot_general3A = arith.constant dense<0.000000e+00> : vector<10000x16xf32>
    %dot_general3A_27 = tpu.matmul %concatenate3A, %get3A_26, %dot_general3A {dimension_numbers = #tpu.dot_dimension_numbers<[1], [0], [0], [1], [0, 0, 1, 1], [], []>, transpose_lhs_hint = false} : vector<10000x129xf32>, vector<129x16xf32>, vector<10000x16xf32> -> vector<10000x16xf32>
    %broadcast_in_dim3A_28 = vector.shape_cast %div3A_11 : vector<10000xf32> to vector<10000x1xf32>
    %mul3A = vector.broadcast %broadcast_in_dim3A_28 : vector<10000x1xf32> to vector<10000x16xf32>
    %mul3A_29 = arith.mulf %dot_general3A_27, %mul3A : vector<10000x16xf32>
    %swap3A = arith.constant 0 : index
    %swap3A_30 = arith.constant 0 : index
    %swap3A_31 = vector.load %arg4[%swap3A, %swap3A_30] : memref<10000x16xf32, #tpu.memory_space<vmem>>, vector<10000x16xf32>
    tpu.vector_store %arg4[%swap3A, %swap3A_30], %mul3A_29 {strides = array<i32>} : memref<10000x16xf32, #tpu.memory_space<vmem>>, vector<10000x16xf32>,
    %swap3A_32 = arith.constant 0 : index
    %swap3A_33 = vector.load %arg5[%swap3A_32] : memref<10000xf32, #tpu.memory_space<vmem>>, vector<10000xf32>
    tpu.vector_store %arg5[%swap3A_32], %div3A_11 {strides = array<i32>} : memref<10000xf32, #tpu.memory_space<vmem>>, vector<10000xf32>,
    return
  }
}

module attributes {stable_mosaic.version = 14 : i64} {
  func.func @body(%arg0: memref<2x10240x16xf32, #tpu.memory_space<vmem>>, %arg1: memref<10000x16xf32, #tpu.memory_space<vmem>>, %arg2: memref<10000xf32, #tpu.memory_space<vmem>>, %arg3: memref<16xf32, #tpu.memory_space<vmem>>, %arg4: memref<16x1xf32, #tpu.memory_space<vmem>>, %arg5: memref<10000xf32, #tpu.memory_space<vmem>>) attributes {dimension_semantics = [], scalar_prefetch = 0 : i64, scratch_operands = 0 : i64, tpu.core_type = #tpu.core_type<tc>} {
    %get3A = arith.constant 0 : index
    %get3A_0 = arith.constant 0 : index
    %get3A_1 = arith.constant 0 : index
    %get3A_2 = vector.load %arg0[%get3A, %get3A_0, %get3A_1] : memref<2x10240x16xf32, #tpu.memory_space<vmem>>, vector<1x10000x16xf32>
    %get3A_3 = vector.shape_cast %get3A_2 : vector<1x10000x16xf32> to vector<10000x16xf32>
    %get3A_4 = arith.constant 1 : index
    %get3A_5 = arith.constant 0 : index
    %get3A_6 = arith.constant 0 : index
    %get3A_7 = vector.load %arg0[%get3A_4, %get3A_5, %get3A_6] : memref<2x10240x16xf32, #tpu.memory_space<vmem>>, vector<1x10000x16xf32>
    %get3A_8 = vector.shape_cast %get3A_7 : vector<1x10000x16xf32> to vector<10000x16xf32>
    %add3A = arith.addf %get3A_3, %get3A_8 : vector<10000x16xf32>
    %get3A_9 = arith.constant 0 : index
    %get3A_10 = arith.constant 0 : index
    %get3A_11 = vector.load %arg1[%get3A_9, %get3A_10] : memref<10000x16xf32, #tpu.memory_space<vmem>>, vector<10000x16xf32>
    %add3A_12 = arith.addf %add3A, %get3A_11 : vector<10000x16xf32>
    %get3A_13 = arith.constant 0 : index
    %get3A_14 = vector.load %arg2[%get3A_13] : memref<10000xf32, #tpu.memory_space<vmem>>, vector<10000xf32>
    %broadcast_in_dim3A = vector.shape_cast %get3A_14 : vector<10000xf32> to vector<10000x1xf32>
    %mul3A = vector.broadcast %broadcast_in_dim3A : vector<10000x1xf32> to vector<10000x16xf32>
    %mul3A_15 = arith.mulf %mul3A, %add3A_12 : vector<10000x16xf32>
    %get3A_16 = arith.constant 0 : index
    %get3A_17 = vector.load %arg3[%get3A_16] : memref<16xf32, #tpu.memory_space<vmem>>, vector<16xf32>
    %broadcast_in_dim3A_18 = vector.shape_cast %get3A_17 : vector<16xf32> to vector<1x16xf32>
    %add3A_19 = vector.broadcast %broadcast_in_dim3A_18 : vector<1x16xf32> to vector<10000x16xf32>
    %add3A_20 = arith.addf %mul3A_15, %add3A_19 : vector<10000x16xf32>
    %max3A = arith.constant 0.000000e+00 : f32
    %max3A_21 = vector.broadcast %max3A : f32 to vector<10000x16xf32>
    %max3A_22 = arith.maximumf %add3A_20, %max3A_21 : vector<10000x16xf32>
    %get3A_23 = arith.constant 0 : index
    %get3A_24 = arith.constant 0 : index
    %get3A_25 = vector.load %arg4[%get3A_23, %get3A_24] : memref<16x1xf32, #tpu.memory_space<vmem>>, vector<16x1xf32>
    %dot_general3A = arith.constant dense<0.000000e+00> : vector<10000x1xf32>
    %dot_general3A_26 = tpu.matmul %max3A_22, %get3A_25, %dot_general3A {dimension_numbers = #tpu.dot_dimension_numbers<[1], [0], [0], [1], [0, 0, 1, 1], [], []>, transpose_lhs_hint = false} : vector<10000x16xf32>, vector<16x1xf32>, vector<10000x1xf32> -> vector<10000x1xf32>
    %squeeze3A = vector.shape_cast %dot_general3A_26 : vector<10000x1xf32> to vector<10000xf32>
    %get3A_27 = arith.constant 0 : index
    %get3A_28 = vector.load %arg2[%get3A_27] : memref<10000xf32, #tpu.memory_space<vmem>>, vector<10000xf32>
    %mul3A_29 = arith.mulf %squeeze3A, %get3A_28 : vector<10000xf32>
    %swap3A = arith.constant 0 : index
    %swap3A_30 = vector.load %arg5[%swap3A] : memref<10000xf32, #tpu.memory_space<vmem>>, vector<10000xf32>
    tpu.vector_store %arg5[%swap3A], %mul3A_29 {strides = array<i32>} : memref<10000xf32, #tpu.memory_space<vmem>>, vector<10000xf32>,
    return
  }
}

module attributes {stable_mosaic.version = 14 : i64} {
  func.func @body(%arg0: memref<2x10240xf32, #tpu.memory_space<vmem>>, %arg1: memref<10000xf32, #tpu.memory_space<vmem>>, %arg2: memref<10000xf32, #tpu.memory_space<vmem>>, %arg3: memref<1xf32, #tpu.memory_space<vmem>>, %arg4: memref<10000x1xf32, #tpu.memory_space<vmem>>) attributes {dimension_semantics = [], scalar_prefetch = 0 : i64, scratch_operands = 0 : i64, tpu.core_type = #tpu.core_type<tc>} {
    %get3A = arith.constant 0 : index
    %get3A_0 = vector.load %arg2[%get3A] : memref<10000xf32, #tpu.memory_space<vmem>>, vector<10000xf32>
    %get3A_1 = arith.constant 0 : index
    %get3A_2 = arith.constant 0 : index
    %get3A_3 = vector.load %arg0[%get3A_1, %get3A_2] : memref<2x10240xf32, #tpu.memory_space<vmem>>, vector<1x10000xf32>
    %get3A_4 = vector.shape_cast %get3A_3 : vector<1x10000xf32> to vector<10000xf32>
    %get3A_5 = arith.constant 1 : index
    %get3A_6 = arith.constant 0 : index
    %get3A_7 = vector.load %arg0[%get3A_5, %get3A_6] : memref<2x10240xf32, #tpu.memory_space<vmem>>, vector<1x10000xf32>
    %get3A_8 = vector.shape_cast %get3A_7 : vector<1x10000xf32> to vector<10000xf32>
    %add3A = arith.addf %get3A_4, %get3A_8 : vector<10000xf32>
    %get3A_9 = arith.constant 0 : index
    %get3A_10 = vector.load %arg1[%get3A_9] : memref<10000xf32, #tpu.memory_space<vmem>>, vector<10000xf32>
    %add3A_11 = arith.addf %add3A, %get3A_10 : vector<10000xf32>
    %mul3A = arith.mulf %get3A_0, %add3A_11 : vector<10000xf32>
    %broadcast_in_dim3A = vector.shape_cast %mul3A : vector<10000xf32> to vector<10000x1xf32>
    %get3A_12 = arith.constant 0 : index
    %get3A_13 = vector.load %arg3[%get3A_12] : memref<1xf32, #tpu.memory_space<vmem>>, vector<1xf32>
    %broadcast_in_dim3A_14 = vector.shape_cast %get3A_13 : vector<1xf32> to vector<1x1xf32>
    %add3A_15 = vector.broadcast %broadcast_in_dim3A_14 : vector<1x1xf32> to vector<10000x1xf32>
    %add3A_16 = arith.addf %broadcast_in_dim3A, %add3A_15 : vector<10000x1xf32>
    %swap3A = arith.constant 0 : index
    %swap3A_17 = arith.constant 0 : index
    %swap3A_18 = vector.load %arg4[%swap3A, %swap3A_17] : memref<10000x1xf32, #tpu.memory_space<vmem>>, vector<10000x1xf32>
    tpu.vector_store %arg4[%swap3A, %swap3A_17], %add3A_16 {strides = array<i32>} : memref<10000x1xf32, #tpu.memory_space<vmem>>, vector<10000x1xf32>,
    return
  }
}

</mosaic_0001>

<sc_bundles>
// kernel: kernel.12.cloned.1.call-start
scs
__scs_entry_jumppad:
0x0: {  	(pc) =	sbr.rel $0x88, $3  }
0x1: {  	(tag) =	ssettag $0x0;
	lr =	simm.s32 $0x1  }
0x2: {  	[smem:$0x3F9A] =	sst lr;
	_ =	strace $0xD0000000  }
0x3: {  	_ = 	snop  }
0x4: {  	_ = 	snop  }
0x5: {  	_ = 	snop  }
0x6: {  	_ = 	snop  }
0x7: {  	_ = 	snop  }
__scs_overlays_trampoline_lowered:
0x8: {  	[smem:$0x3FA9] =	sst s0  }
0x9: {  	[smem:$0x3FAA] =	sst s1  }
0xa: {  	[smem:$0x3FAB] =	sst s2  }
0xb: {  	[smem:$0x3FAC] =	sst s3  }
0xc: {  	[smem:$0x3FAD] =	sst s4  }
0xd: {  	[smem:$0x3FAE] =	sst s5  }
0xe: {  	[smem:$0x3FAF] =	sst s6  }
0xf: {  	[smem:$0x3FB0] =	sst s7  }
0x10: {  	[smem:$0x3FB1] =	sst s8  }
0x11: {  	[smem:$0x3FB2] =	sst s9;
	s0 =	simm.s32 @!p0 $0x0  }
0x12: {  	s1 =	sld [smem:$0x3F98];
	s0 =	simm.s32 @p0 $0x1  }
0x13: {  	[smem:$0x3FB3] =	sst s0;
	s0 =	simm.s32 @!p1 $0x0  }
0x14: {  	s2 =	sld [smem:$0x3F97];
	s0 =	simm.s32 @p1 $0x1  }
0x15: {  	[smem:$0x3FB4] =	sst s0;
	s0 =	simm.s32 @!p2 $0x0  }
0x16: {  	s3 =	sld [smem:$0x3FDB];
	s0 =	simm.s32 @p2 $0x1  }
0x17: {  	s4 =	simm.s32 $0x1BF5;
	[smem:$0x3FB6] =	sst s0  }
0x18: {  	s0 =	sld [smem:$0x3F99];
	_ =	swait.ge [sflag:s4], $0x0  }
0x19: {  	s7 =	sld [smem:$0x3F9A]  }
0x1a: {  	s8 =	sadd.s32 $0xFFFFE003, lr  }
0x1b: {  	s9 =	sadd.s32 $0xFFFFFEF7, lr;
	s5 =	simm.s32 $0xFFFFFFFF;
	p2 =	slt.u32 s8, $0xFFFFF086  }
0x1c: {  	p1 =	slt.u32 s9, $0xF7A;
	s5 =	simm.s32 @!p2 $0x0  }
0x1d: {  	s5 =	simm.s32 @p1 $0x1;
	p0 =	seq.s32 s7, s2  }
0x1e: {  	s7 =	smul.u32 @!p0 $0xF7A, s2;
	p2 =	seq.s32 @!p0 s5, $0x0  }
0x1f: {  	s9 =	smul.u32 $0xF7A, s1;
	s8 =	simm.s32 @!p0 $0x1BF5;
	p2 =	por !p2, p0  }
0x20: {  	[sflag:s8] =	ssyncset.s32 @!p0 $0xFFFFF086;
	s6 =	sadd.s32 @!p0 s3, s7;
	s7 =	simm.s32 @!p0 $0x108  }
0x21: {  	s3 =	sadd.s32 s3, s9;
	s6 =	sadd.s32 @!p0 $0x88, s6;
	s7 =	simm.s32 @p2 $0x1082  }
0x22: {  	[simem:s7], [sflag:s8] =	dma.local @!p0 [hbm:s6], $0xF7A  }
0x23: {  	s9 =	sor.u32 $0xD0000000, s2;
	s6 =	simm.s32 $0x108;
	_ =	swait.ge @!p0 [sflag:s8], $0x0  }
0x24: {  	s3 =	sadd.s32 $0x88, s3;
	s6 =	simm.s32 @!p1 $0x1082;
	[sflag:s4] =	ssyncset.s32 $0xFFFFF086  }
0x25: {  	[simem:s6], [sflag:s4] =	dma.local [hbm:s3], $0xF7A  }
0x26: {  	[smem:$0x3F9A] =	sst s1;
	(tag) =	ssettag s2;
	_ =	strace s9  }
0x27: {  	s1 =	sld [smem:$0x3FAA]  }
0x28: {  	s2 =	sld [smem:$0x3FAB]  }
0x29: {  	s4 =	sld [smem:$0x3FAD]  }
0x2a: {  	p0 =	seq.s32 s5, $0x0;
	s5 =	sld [smem:$0x3FAE]  }
0x2b: {  	s6 =	sld [smem:$0x3FAF]  }
0x2c: {  	s7 =	sld [smem:$0x3FB0]  }
0x2d: {  	s3 =	simm.s32 $0x108;
	s8 =	sld [smem:$0x3FB1]  }
0x2e: {  	s3 =	simm.s32 @!p0 $0x1082;
	s9 =	sld [smem:$0x3FB2]  }
0x2f: {  	lr =	sadd.s32 s0, s3;
	s0 =	sld [smem:$0x3FA9]  }
0x30: {  	s3 =	sld [smem:$0x3FAC]  }
0x31: {  	[smem:$0x3FB5] =	sst s10  }
0x32: {  	s10 =	sld [smem:$0x3FB3];
	_ =	sdelay $0x3  }
0x33: {  	p0 =	seq.s32 s10, $0x1;
	s10 =	sld [smem:$0x3FB5];
	_ =	sdelay $0x3  }
0x34: {  	[smem:$0x3FB5] =	sst s10  }
0x35: {  	s10 =	sld [smem:$0x3FB4];
	_ =	sdelay $0x3  }
0x36: {  	p1 =	seq.s32 s10, $0x1;
	s10 =	sld [smem:$0x3FB5];
	_ =	sdelay $0x3  }
0x37: {  	[smem:$0x3FB5] =	sst s10  }
0x38: {  	s10 =	sld [smem:$0x3FB6]  }
0x39: {  	_ = 	snop;
	(pc) =	sbr.ind lr, $3  }
0x3a: {  	_ = 	snop  }
0x3b: {  	_ = 	snop  }
0x3c: {  	p2 =	seq.s32 s10, $0x1;
	s10 =	sld [smem:$0x3FB5]  }
0x3d: {  	_ =	shalt  }
0x3e: {  	_ =	shalt  }
0x3f: {  	_ =	shalt  }
0x40: {  	_ =	shalt  }
0x41: {  	_ =	shalt  }
0x42: {  	_ =	shalt  }
0x43: {  	_ =	shalt  }
0x44: {  	_ =	shalt  }
0x45: {  	_ =	shalt  }
0x46: {  	_ =	shalt  }
0x47: {  	_ =	shalt  }
0x48: {  	_ =	shalt  }
0x49: {  	_ =	shalt  }
0x4a: {  	_ =	shalt  }
0x4b: {  	_ =	shalt  }
0x4c: {  	_ =	shalt  }
0x4d: {  	_ =	shalt  }
0x4e: {  	_ =	shalt  }
0x4f: {  	_ =	shalt  }
0x50: {  	_ =	shalt  }
0x51: {  	_ =	shalt  }
0x52: {  	_ =	shalt  }
0x53: {  	_ =	shalt  }
0x54: {  	_ =	shalt  }
0x55: {  	_ =	shalt  }
0x56: {  	_ =	shalt  }
0x57: {  	_ =	shalt  }
0x58: {  	_ =	shalt  }
0x59: {  	_ =	shalt  }
0x5a: {  	_ =	shalt  }
0x5b: {  	_ =	shalt  }
0x5c: {  	_ =	shalt  }
0x5d: {  	_ =	shalt  }
0x5e: {  	_ =	shalt  }
0x5f: {  	_ =	shalt  }
0x60: {  	_ =	shalt  }
0x61: {  	_ =	shalt  }
0x62: {  	_ =	shalt  }
0x63: {  	_ =	shalt  }
0x64: {  	_ =	shalt  }
0x65: {  	_ =	shalt  }
0x66: {  	_ =	shalt  }
0x67: {  	_ =	shalt  }
0x68: {  	_ =	shalt  }
0x69: {  	_ =	shalt  }
0x6a: {  	_ =	shalt  }
0x6b: {  	_ =	shalt  }
0x6c: {  	_ =	shalt  }
0x6d: {  	_ =	shalt  }
0x6e: {  	_ =	shalt  }
0x6f: {  	_ =	shalt  }
0x70: {  	_ =	shalt  }
0x71: {  	_ =	shalt  }
0x72: {  	_ =	shalt  }
0x73: {  	_ =	shalt  }
0x74: {  	_ =	shalt  }
0x75: {  	_ =	shalt  }
0x76: {  	_ =	shalt  }
0x77: {  	_ =	shalt  }
0x78: {  	_ =	shalt  }
0x79: {  	_ =	shalt  }
0x7a: {  	_ =	shalt  }
0x7b: {  	_ =	shalt  }
0x7c: {  	_ =	shalt  }
0x7d: {  	_ =	shalt  }
0x7e: {  	_ =	shalt  }
0x7f: {  	_ =	shalt  }
0x80: {  	_ =	shalt  }
0x81: {  	_ =	shalt  }
0x82: {  	_ =	shalt  }
0x83: {  	_ =	shalt  }
0x84: {  	_ =	shalt  }
0x85: {  	_ =	shalt  }
0x86: {  	_ =	shalt  }
0x87: {  	_ =	shalt  }
.Lfunc_end0:
.L_simem_size_0:
called_computation.1_lowered:
.L_overlay_start_0:
0x88: {  	s2 =	sld [smem:$0x3FD9]  }
0x89: {  	s3 =	sld [smem:$0x3FFE];
	_ =	sdelay $0x1  }
0x8a: {  	s1 =	srdreg.scid  }
0x8b: {  	s0 =	sand.u32 $0x1, s1  }
0x8c: {  	s16 =	sshll.u32 s0, $0xA;
	s2 =	sadd.s32 s3, s2  }
0x8d: {  	s2 =	sadd.s32 s2, s16  }
0x8e: {  	[smem:$0x3FC1] =	sst s2  }
0x8f: {  	_ = 	snop  }
0x90: {  	(tm) =	ssettm $0x1  }
0x91: {  	s17 =	sld [smem:$0x3FFB];
	_ =	sdelay $0x3  }
0x92: {  	_ =	strace s17  }
0x93: {  	s2 =	sld [smem:$0x3FFC];
	_ =	sdelay $0x3  }
0x94: {  	_ =	strace s2  }
0x95: {  	s2 =	sld [smem:$0x3FFD];
	_ =	sdelay $0x3  }
0x96: {  	_ =	strace s2  }
0x97: {  	_ =	strace $0x8FFFFFFF  }
0x98: {  	s18 =	sld [smem:$0x3FDB];
	_ =	sdelay $0x1  }
0x99: {  	s19 =	simm.s32 $_scs_section_size  }
0x9a: {  	s4 =	simm.s32 $_size__tile_overlayer_lowered;
	s5 =	simm.s32 $_tile_overlayer_lowered  }
0x9b: {  	s22 =	simm.s32 $0x1BFF;
	s21 =	sshll.u32 s5, $0x1;
	s2 =	sadd.s32 s19, s18  }
0x9c: {  	s6 =	simm.s32 $0x0;
	s20 =	sshll.u32 s4, $0x1;
	s4 =	sadd.s32 s21, s2  }
0x9d: {  	[timem:s6], [sflag:s22] =	dma.local [hbm:s4], s20  }
0x9e: {  	_ =	swait.ge [sflag:s22], s20  }
0x9f: {  	s3 =	ssub.s32 $0x0, s20;
	[sflag:s22] =	ssyncset.done $0x0  }
0xa0: {  	[sflag:s22] =	ssyncadd.s32 s3;
	_ =	sdelay $0x1  }
0xa1: {  	s23 =	simm.s32 $0x1B8B  }
0xa2: {  	_ =	swait.ge [sflag:s23], $0x1  }
0xa3: {  	[sflag:s23] =	ssyncset.done $0x0  }
0xa4: {  	s25 =	simm.s32 $0x1B8E;
	s24 =	sld [smem:$0x3FFE];
	[sflag:s23] =	ssyncadd.s32 $0xFFFFFFFF  }
0xa5: {  	s26 =	simm.s32 $execute0_lowered;
	[smem:$0x3FD2] =	sst s25  }
0xa6: {  	s4 =	sshll.u32 s26, $0x1;
	_ =	strace $0x80000049;
	[dreg:$0x1] =	wrdreg $0xFFFFFFFF  }
0xa7: {  	s28 =	simm.s32 $_size_execute0_lowered;
	s2 =	sadd.s32 s2, s4;
	[dreg:$0x0] =	wrdreg $0x0  }
0xa8: {  	s4 =	sshll.u32 s28, $0x1;
	[dreg:$0x2] =	wrdreg s2  }
0xa9: {  	[dreg:$0x3] =	wrdreg s4  }
0xaa: {  	[dreg:$0x4] =	wrdreg $0xC0  }
0xab: {  	_ =	task [dreg:s6], $0x5FFFF  }
0xac: {  	[dreg:$0x1] =	wrdreg $0xFFFFFFFF  }
0xad: {  	[dreg:$0x0] =	wrdreg $0x60  }
0xae: {  	[dreg:$0x2] =	wrdreg s24  }
0xaf: {  	[dreg:$0x3] =	wrdreg $0x148200  }
0xb0: {  	[dreg:$0x4] =	wrdreg $0x9  }
0xb1: {  	_ =	task.clear_ibuf [dreg:s6], $0x5FFFF;
	_ =	strace $0x90000049  }
0xb2: {  	s29 =	simm.s32 $0x9;
	_ =	strace $0x8000004B  }
0xb3: {  	_ =	swait.ge [sflag:s29], $0x1  }
0xb4: {  	[sflag:s29] =	ssyncadd.s32 $0xFFFFFFFF  }
0xb5: {  	_ =	strace $0x9000004B  }
0xb6: {  	_ =	sfence  }
0xb7: {  	s30 =	sld [smem:$0x0];
	_ =	sdelay $0x2  }
0xb8: {  	s31 =	sshll.u32 s1, $0xD;
	s1 =	sshrl.u32 s1, $0x2  }
0xb9: {  	s3 =	sand.u32 $0x4000, s31;
	s1 =	sadd.s32 s1, s30  }
0xba: {  	s0 =	sor.u32 s3, s0;
	s1 =	sshll.u32 s1, $0x11  }
0xbb: {  	s0 =	sor.u32 s1, s0  }
0xbc: {  	s0 =	sadd.s32 $0x8F2B, s0  }
0xbd: {  	[sflag:s0] =	ssyncadd.remote.s32 $0x1  }
0xbe: {  	_ =	sfence.sel $0xFFFF  }
0xbf: {  	[dreg:$0x0] =	wrdreg $0xFFFFFFFF;
	(pc) =	sbr.abs _section_cstart, $3  }
0xc0: {  	[dreg:$0x1] =	wrdreg $0xFFFFFFFF  }
0xc1: {  	_ =	task.clear_ibuf [dreg:s6], $0x2FFFF;
	_ =	strace $0x9FFFFFFF  }
0xc2: {  	(tm) =	ssettm $0x7FFFFFFF  }
0xc3: {  	_ =	shalt  }
tec
execute0_lowered:
.L_overlay_start_1:
0x0: {  	(tag) =	ssettag $0x1  }
0x1: {  	s0 =	srdreg.scid  }
0x2: {  	s11 =	stileid.u32;
	s6 =	rddreg [dreg:$0x0]  }
0x3: {  	s2 =	rddreg [dreg:$0x1];
	s3 =	simm.s32 $0x0;
	s12 =	simm.s32 $0x3  }
0x4: {  	s13 =	simm.s32 $0x50;
	s15 =	simm.s32 $0xB220;
	s16 =	simm.s32 $0x690  }
0x5: {  	s17 =	simm.s32 $0xB720;
	s18 =	simm.s32 $0x6E0;
	s19 =	simm.s32 $0xBC20  }
0x6: {  	s20 =	simm.s32 $0x730;
	s21 =	simm.s32 $0xC120;
	s22 =	simm.s32 $0x780  }
0x7: {  	s23 =	simm.s32 $0xC620;
	s24 =	simm.s32 $0x1;
	s25 =	simm.s32 $0x2  }
0x8: {  	s26 =	simm.s32 $0x0;
	s0 =	sand.u32 $0x1, s0;
	s7 =	smul.u32 $0x2800, s11  }
0x9: {  	[smem:$0x7FF] =	sst s3;
	s4 =	sadd.s32 $0x16600, s6;
	s1 =	sshll.u32 s0, $0x4  }
0xa: {  	s30 =	sshll.u32 s11, $0x6;
	s5 =	smul.u32 $0x28000, s0;
	s1 =	sor.u32 s11, s1  }
0xb: {  	_ =	strace $0x8000004A;
	s0 =	ssub.s32 $0x2, s0;
	s1 =	smul.u32 $0x4E2, s1  }
.Ltmp0:
0xc: {  	s9 =	sshrl.u32 s0, $0x1;
	s31 =	sadd.s32 s7, s2;
	(pc) =	sbr.rel .LBB2_1-.Ltmp0, $4  }
0xd: {  	s8 =	sadd.s32 s7, s5;
	s5 =	sadd.s32 $0x1B600, s6;
	s0 =	ssub.s32 s0, s9  }
0xe: {  	s11 =	sshrl.u32 s31, $0x3;
	s8 =	sshrl.u32 s8, $0x3;
	s1 =	sadd.s32 s1, s6  }
0xf: {  	s10 =	sadd.s32 s8, s6;
	s6 =	sor.u32 $0x1C03, s30;
	s7 =	sadd.s32 $0x2A00, s1  }
0x10: {  	s8 =	sadd.s32 $0xC800, s1;
	s9 =	sadd.s32 $0x1BC00, s10;
	s10 =	smax.u32 s0, $0x1  }
.LBB2_8:
0x11: {  	_ =	swait.ge [sflag:s25], $0x500  }
0x12: {  	[sflag:s25] =	ssyncset.done $0x0  }
0x13: {  	[sflag:s25] =	ssyncadd.s32 $0xFFFFFB00  }
0x14: {  	_ =	swait.ge [sflag:s25], $0x500  }
0x15: {  	[sflag:s25] =	ssyncset.done $0x0  }
0x16: {  	[sflag:s25] =	ssyncadd.s32 $0xFFFFFB00  }
0x17: {  	_ =	swait.ge [sflag:s25], $0x500  }
0x18: {  	[sflag:s25] =	ssyncset.done $0x0  }
0x19: {  	[sflag:s25] =	ssyncadd.s32 $0xFFFFFB00  }
0x1a: {  	_ =	swait.ge [sflag:s25], $0x500  }
0x1b: {  	[sflag:s25] =	ssyncset.done $0x0  }
0x1c: {  	[sflag:s25] =	ssyncadd.s32 $0xFFFFFB00  }
0x1d: {  	_ =	swait.ge [sflag:s25], $0x500  }
0x1e: {  	[sflag:s25] =	ssyncset.done $0x0  }
0x1f: {  	[sflag:s25] =	ssyncadd.s32 $0xFFFFFB00  }
0x20: {  	_ =	swait.ge [sflag:s25], $0x500  }
0x21: {  	[sflag:s25] =	ssyncset.done $0x0  }
0x22: {  	[sflag:s25] =	ssyncadd.s32 $0xFFFFFB00  }
0x23: {  	_ =	swait.ge [sflag:s25], $0x500  }
0x24: {  	[sflag:s25] =	ssyncset.done $0x0  }
0x25: {  	[sflag:s25] =	ssyncadd.s32 $0xFFFFFB00  }
0x26: {  	_ =	swait.ge [sflag:s25], $0x500  }
0x27: {  	[sflag:s25] =	ssyncset.done $0x0  }
0x28: {  	[sflag:s25] =	ssyncadd.s32 $0xFFFFFB00  }
0x29: {  	_ =	swait.ge [sflag:s25], $0x500  }
0x2a: {  	[sflag:s25] =	ssyncset.done $0x0  }
0x2b: {  	[sflag:s25] =	ssyncadd.s32 $0xFFFFFB00  }
0x2c: {  	_ =	swait.ge [sflag:s25], $0x500  }
0x2d: {  	[sflag:s25] =	ssyncset.done $0x0  }
0x2e: {  	[sflag:s25] =	ssyncadd.s32 $0xFFFFFB00  }
0x2f: {  	_ =	swait.ge [sflag:s25], $0x500  }
0x30: {  	[sflag:s25] =	ssyncset.done $0x0  }
0x31: {  	[sflag:s25] =	ssyncadd.s32 $0xFFFFFB00  }
0x32: {  	_ =	swait.ge [sflag:s25], $0x500  }
0x33: {  	[sflag:s25] =	ssyncset.done $0x0  }
0x34: {  	[sflag:s25] =	ssyncadd.s32 $0xFFFFFB00  }
0x35: {  	_ =	swait.ge [sflag:s25], $0x500  }
0x36: {  	[sflag:s25] =	ssyncset.done $0x0  }
0x37: {  	[sflag:s25] =	ssyncadd.s32 $0xFFFFFB00  }
0x38: {  	_ =	swait.ge [sflag:s25], $0x500  }
0x39: {  	[sflag:s25] =	ssyncset.done $0x0  }
0x3a: {  	[sflag:s25] =	ssyncadd.s32 $0xFFFFFB00  }
0x3b: {  	_ =	swait.ge [sflag:s25], $0x500  }
0x3c: {  	[sflag:s25] =	ssyncset.done $0x0  }
0x3d: {  	[sflag:s25] =	ssyncadd.s32 $0xFFFFFB00  }
0x3e: {  	_ =	swait.ge [sflag:s25], $0x500  }
0x3f: {  	[sflag:s25] =	ssyncset.done $0x0  }
0x40: {  	[sflag:s25] =	ssyncadd.s32 $0xFFFFFB00  }
0x41: {  	_ =	swait.ge [sflag:s25], $0x500  }
0x42: {  	[sflag:s25] =	ssyncset.done $0x0  }
0x43: {  	[sflag:s25] =	ssyncadd.s32 $0xFFFFFB00  }
0x44: {  	_ =	swait.ge [sflag:s25], $0x500  }
0x45: {  	[sflag:s25] =	ssyncset.done $0x0  }
0x46: {  	[sflag:s25] =	ssyncadd.s32 $0xFFFFFB00  }
0x47: {  	_ =	swait.ge [sflag:s25], $0x500  }
0x48: {  	[sflag:s25] =	ssyncset.done $0x0  }
0x49: {  	[sflag:s25] =	ssyncadd.s32 $0xFFFFFB00  }
0x4a: {  	_ =	swait.ge [sflag:s25], $0x500  }
0x4b: {  	[sflag:s25] =	ssyncset.done $0x0  }
0x4c: {  	[sflag:s25] =	ssyncadd.s32 $0xFFFFFB00  }
0x4d: {  	_ =	swait.ge [sflag:s25], $0x500  }
0x4e: {  	[sflag:s25] =	ssyncset.done $0x0  }
0x4f: {  	[sflag:s25] =	ssyncadd.s32 $0xFFFFFB00  }
0x50: {  	_ =	swait.ge [sflag:s25], $0x500  }
0x51: {  	[sflag:s25] =	ssyncset.done $0x0  }
0x52: {  	[sflag:s25] =	ssyncadd.s32 $0xFFFFFB00  }
0x53: {  	_ =	swait.ge [sflag:s25], $0x500  }
0x54: {  	[sflag:s25] =	ssyncset.done $0x0  }
0x55: {  	[sflag:s25] =	ssyncadd.s32 $0xFFFFFB00  }
0x56: {  	_ =	swait.ge [sflag:s25], $0x500  }
0x57: {  	[sflag:s25] =	ssyncset.done $0x0  }
0x58: {  	[sflag:s25] =	ssyncadd.s32 $0xFFFFFB00  }
0x59: {  	_ =	swait.ge [sflag:s25], $0x500  }
0x5a: {  	s26 =	sadd.s32 $0x1, s26;
	[sflag:s25] =	ssyncset.done $0x0  }
0x5b: {  	p0 =	sne.s32 s26, s10;
	[sflag:s25] =	ssyncadd.s32 $0xFFFFFB00  }
.Ltmp1:
0x5c: {  	[bflag:$0x0] =	sbarrier.arrive $0xFFFF;
	(pc) =	sbr.rel @!p0 .LBB2_9-.Ltmp1, $4  }
0x5d: {  	[hbm:s9], [sflag:s6] =	dma.local [spmem:s11], $0x500  }
0x5e: {  	_ =	swait.ge [sflag:s12], $0x500  }
0x5f: {  	[sflag:s12] =	ssyncset.done $0x0  }
0x60: {  	[sflag:s12] =	ssyncadd.s32 $0xFFFFFB00  }
.LBB2_1:
0x61: {  	[spmem:s11], [sflag:s6] =	dma.local [hbm:s5], $0x500  }
0x62: {  	_ =	swait.ge [sflag:s12], $0x500  }
0x63: {  	[sflag:s12] =	ssyncset.done $0x0  }
0x64: {  	[sflag:s12] =	ssyncadd.s32 $0xFFFFFB00  }
0x65: {  	[tilespmem:s3], [sflag:$0x3] =	stream.linear.gather [hbm4b:s7+s3], $0x2710, $0x38;
	[tilespmem:$0x17020] =	vst v63  }
0x66: {  	_ =	swait.ge [sflag:s12], $0x2710  }
0x67: {  	[sflag:s12] =	ssyncset.done $0x0  }
0x68: {  	s28 =	simm.s32 $0x2710;
	[sflag:s12] =	ssyncadd.s32 $0xFFFFD8F0  }
0x69: {  	[tilespmem:s28], [sflag:$0x3] =	stream.linear.gather [hbm4b:s8+s3], $0x2710, $0x38;
	[tilespmem:$0x17020] =	vst v63  }
0x6a: {  	_ =	swait.ge [sflag:s12], $0x2710  }
0x6b: {  	[sflag:s12] =	ssyncset.done $0x0  }
0x6c: {  	[sflag:s12] =	ssyncadd.s32 $0xFFFFD8F0  }
0x6d: {  	s0 =	simm.s32 $0x4E20;
	[bflag:$0x0] =	sbarrier.arrive $0xFFFF  }
0x6e: {  	[tilespmem:s0], [sflag:$0x1] =	stream.indirect.gather [hbm4b:s4+s13], $0x10, s3, s13, $0xb8;
	[tilespmem:$0x17020] =	vst v63  }
0x6f: {  	s14 =	simm.s32 $0x5320  }
0x70: {  	[tilespmem:s14], [sflag:$0x1] =	stream.indirect.gather [hbm4b:s4+s13], $0x10, s13, s13, $0xb8;
	[tilespmem:$0x17020] =	vst v63  }
0x71: {  	s31 =	simm.s32 $0xA0;
	s1 =	simm.s32 $0x5820  }
0x72: {  	[tilespmem:s1], [sflag:$0x1] =	stream.indirect.gather [hbm4b:s4+s13], $0x10, s31, s13, $0xb8;
	[tilespmem:$0x17020] =	vst v63  }
0x73: {  	s14 =	simm.s32 $0xF0;
	s31 =	simm.s32 $0x5D20  }
0x74: {  	[tilespmem:s31], [sflag:$0x1] =	stream.indirect.gather [hbm4b:s4+s13], $0x10, s14, s13, $0xb8;
	[tilespmem:$0x17020] =	vst v63  }
0x75: {  	s14 =	simm.s32 $0x140;
	s31 =	simm.s32 $0x6220  }
0x76: {  	[tilespmem:s31], [sflag:$0x1] =	stream.indirect.gather [hbm4b:s4+s13], $0x10, s14, s13, $0xb8;
	[tilespmem:$0x17020] =	vst v63  }
0x77: {  	s14 =	simm.s32 $0x190;
	s31 =	simm.s32 $0x6720  }
0x78: {  	[tilespmem:s31], [sflag:$0x1] =	stream.indirect.gather [hbm4b:s4+s13], $0x10, s14, s13, $0xb8;
	[tilespmem:$0x17020] =	vst v63  }
0x79: {  	s14 =	simm.s32 $0x1E0;
	s31 =	simm.s32 $0x6C20  }
0x7a: {  	[tilespmem:s31], [sflag:$0x1] =	stream.indirect.gather [hbm4b:s4+s13], $0x10, s14, s13, $0xb8;
	[tilespmem:$0x17020] =	vst v63  }
0x7b: {  	s14 =	simm.s32 $0x230;
	s31 =	simm.s32 $0x7120  }
0x7c: {  	[tilespmem:s31], [sflag:$0x1] =	stream.indirect.gather [hbm4b:s4+s13], $0x10, s14, s13, $0xb8;
	[tilespmem:$0x17020] =	vst v63  }
0x7d: {  	s14 =	simm.s32 $0x280;
	s31 =	simm.s32 $0x7620  }
0x7e: {  	[tilespmem:s31], [sflag:$0x1] =	stream.indirect.gather [hbm4b:s4+s13], $0x10, s14, s13, $0xb8;
	[tilespmem:$0x17020] =	vst v63  }
0x7f: {  	s14 =	simm.s32 $0x2D0;
	s31 =	simm.s32 $0x7B20  }
0x80: {  	[tilespmem:s31], [sflag:$0x1] =	stream.indirect.gather [hbm4b:s4+s13], $0x10, s14, s13, $0xb8;
	[tilespmem:$0x17020] =	vst v63  }
0x81: {  	s14 =	simm.s32 $0x320;
	s31 =	simm.s32 $0x8020  }
0x82: {  	[tilespmem:s31], [sflag:$0x1] =	stream.indirect.gather [hbm4b:s4+s13], $0x10, s14, s13, $0xb8;
	[tilespmem:$0x17020] =	vst v63  }
0x83: {  	s14 =	simm.s32 $0x370;
	s31 =	simm.s32 $0x8520  }
0x84: {  	[tilespmem:s31], [sflag:$0x1] =	stream.indirect.gather [hbm4b:s4+s13], $0x10, s14, s13, $0xb8;
	[tilespmem:$0x17020] =	vst v63  }
0x85: {  	s14 =	simm.s32 $0x3C0;
	s31 =	simm.s32 $0x8A20  }
0x86: {  	[tilespmem:s31], [sflag:$0x1] =	stream.indirect.gather [hbm4b:s4+s13], $0x10, s14, s13, $0xb8;
	[tilespmem:$0x17020] =	vst v63  }
0x87: {  	s14 =	simm.s32 $0x410;
	s31 =	simm.s32 $0x8F20  }
0x88: {  	[tilespmem:s31], [sflag:$0x1] =	stream.indirect.gather [hbm4b:s4+s13], $0x10, s14, s13, $0xb8;
	[tilespmem:$0x17020] =	vst v63  }
0x89: {  	s14 =	simm.s32 $0x460;
	s31 =	simm.s32 $0x9420  }
0x8a: {  	[tilespmem:s31], [sflag:$0x1] =	stream.indirect.gather [hbm4b:s4+s13], $0x10, s14, s13, $0xb8;
	[tilespmem:$0x17020] =	vst v63  }
0x8b: {  	s14 =	simm.s32 $0x4B0;
	s31 =	simm.s32 $0x9920  }
0x8c: {  	[tilespmem:s31], [sflag:$0x1] =	stream.indirect.gather [hbm4b:s4+s13], $0x10, s14, s13, $0xb8;
	[tilespmem:$0x17020] =	vst v63  }
0x8d: {  	s14 =	simm.s32 $0x500;
	s31 =	simm.s32 $0x9E20  }
0x8e: {  	[tilespmem:s31], [sflag:$0x1] =	stream.indirect.gather [hbm4b:s4+s13], $0x10, s14, s13, $0xb8;
	[tilespmem:$0x17020] =	vst v63  }
0x8f: {  	s14 =	simm.s32 $0x550;
	s31 =	simm.s32 $0xA320  }
0x90: {  	[tilespmem:s31], [sflag:$0x1] =	stream.indirect.gather [hbm4b:s4+s13], $0x10, s14, s13, $0xb8;
	[tilespmem:$0x17020] =	vst v63  }
0x91: {  	s14 =	simm.s32 $0x5A0;
	s31 =	simm.s32 $0xA820  }
0x92: {  	[tilespmem:s31], [sflag:$0x1] =	stream.indirect.gather [hbm4b:s4+s13], $0x10, s14, s13, $0xb8;
	[tilespmem:$0x17020] =	vst v63  }
0x93: {  	s1 =	simm.s32 $0x5F0;
	s14 =	simm.s32 $0xAD20  }
0x94: {  	[tilespmem:s14], [sflag:$0x1] =	stream.indirect.gather [hbm4b:s4+s13], $0x10, s1, s13, $0xb8;
	[tilespmem:$0x17020] =	vst v63  }
0x95: {  	s31 =	simm.s32 $0x640  }
0x96: {  	[tilespmem:s15], [sflag:$0x1] =	stream.indirect.gather [hbm4b:s4+s13], $0x10, s31, s13, $0xb8;
	[tilespmem:$0x17020] =	vst v63  }
0x97: {  	_ = 	snop  }
0x98: {  	[tilespmem:s17], [sflag:$0x1] =	stream.indirect.gather [hbm4b:s4+s13], $0x10, s16, s13, $0xb8;
	[tilespmem:$0x17020] =	vst v63  }
0x99: {  	_ = 	snop  }
0x9a: {  	[tilespmem:s19], [sflag:$0x1] =	stream.indirect.gather [hbm4b:s4+s13], $0x10, s18, s13, $0xb8;
	[tilespmem:$0x17020] =	vst v63  }
0x9b: {  	p0 =	por $0x0, $0x0  }
0x9c: {  	[tilespmem:s21], [sflag:$0x1] =	stream.indirect.gather [hbm4b:s4+s13], $0x10, s20, s13, $0xb8;
	[tilespmem:$0x17020] =	vst v63  }
0x9d: {  	p1 =	por $0x1, $0x1;
	s29 =	simm.s32 $0x7D0;
	s30 =	simm.s32 $0x0  }
0x9e: {  	[tilespmem:s23], [sflag:$0x1] =	stream.indirect.gather [hbm4b:s4+s13], $0x10, s22, s13, $0xb8;
	[tilespmem:$0x17020] =	vst v63  }
.LBB2_2:
0x9f: {  	_ =	swait.ge [sflag:s24], $0x500  }
0xa0: {  	[sflag:s24] =	ssyncset.done $0x0  }
0xa1: {  	[sflag:s24] =	ssyncadd.s32 $0xFFFFFB00  }
0xa2: {  	_ =	swait.ge [sflag:s24], $0x500  }
0xa3: {  	[sflag:s24] =	ssyncset.done $0x0  }
0xa4: {  	[sflag:s24] =	ssyncadd.s32 $0xFFFFFB00  }
0xa5: {  	_ =	swait.ge [sflag:s24], $0x500  }
0xa6: {  	[sflag:s24] =	ssyncset.done $0x0  }
0xa7: {  	[sflag:s24] =	ssyncadd.s32 $0xFFFFFB00  }
0xa8: {  	_ =	swait.ge [sflag:s24], $0x500  }
0xa9: {  	[sflag:s24] =	ssyncset.done $0x0  }
0xaa: {  	[sflag:s24] =	ssyncadd.s32 $0xFFFFFB00  }
0xab: {  	_ =	swait.ge [sflag:s24], $0x500  }
0xac: {  	[sflag:s24] =	ssyncset.done $0x0  }
0xad: {  	[sflag:s24] =	ssyncadd.s32 $0xFFFFFB00  }
0xae: {  	_ =	swait.ge [sflag:s24], $0x500  }
0xaf: {  	[sflag:s24] =	ssyncset.done $0x0  }
0xb0: {  	[sflag:s24] =	ssyncadd.s32 $0xFFFFFB00  }
0xb1: {  	_ =	swait.ge [sflag:s24], $0x500  }
0xb2: {  	[sflag:s24] =	ssyncset.done $0x0  }
0xb3: {  	[sflag:s24] =	ssyncadd.s32 $0xFFFFFB00  }
0xb4: {  	_ =	swait.ge [sflag:s24], $0x500  }
0xb5: {  	[sflag:s24] =	ssyncset.done $0x0  }
0xb6: {  	[sflag:s24] =	ssyncadd.s32 $0xFFFFFB00  }
0xb7: {  	_ =	swait.ge [sflag:s24], $0x500  }
0xb8: {  	[sflag:s24] =	ssyncset.done $0x0  }
0xb9: {  	[sflag:s24] =	ssyncadd.s32 $0xFFFFFB00  }
0xba: {  	_ =	swait.ge [sflag:s24], $0x500  }
0xbb: {  	[sflag:s24] =	ssyncset.done $0x0  }
0xbc: {  	[sflag:s24] =	ssyncadd.s32 $0xFFFFFB00  }
0xbd: {  	_ =	swait.ge [sflag:s24], $0x500  }
0xbe: {  	[sflag:s24] =	ssyncset.done $0x0  }
0xbf: {  	[sflag:s24] =	ssyncadd.s32 $0xFFFFFB00  }
0xc0: {  	_ =	swait.ge [sflag:s24], $0x500  }
0xc1: {  	[sflag:s24] =	ssyncset.done $0x0  }
0xc2: {  	[sflag:s24] =	ssyncadd.s32 $0xFFFFFB00  }
0xc3: {  	_ =	swait.ge [sflag:s24], $0x500  }
0xc4: {  	[sflag:s24] =	ssyncset.done $0x0  }
0xc5: {  	[sflag:s24] =	ssyncadd.s32 $0xFFFFFB00  }
0xc6: {  	_ =	swait.ge [sflag:s24], $0x500  }
0xc7: {  	[sflag:s24] =	ssyncset.done $0x0  }
0xc8: {  	[sflag:s24] =	ssyncadd.s32 $0xFFFFFB00  }
0xc9: {  	_ =	swait.ge [sflag:s24], $0x500  }
0xca: {  	[sflag:s24] =	ssyncset.done $0x0  }
0xcb: {  	[sflag:s24] =	ssyncadd.s32 $0xFFFFFB00  }
0xcc: {  	_ =	swait.ge [sflag:s24], $0x500  }
0xcd: {  	[sflag:s24] =	ssyncset.done $0x0  }
0xce: {  	[sflag:s24] =	ssyncadd.s32 $0xFFFFFB00  }
0xcf: {  	_ =	swait.ge [sflag:s24], $0x500  }
0xd0: {  	[sflag:s24] =	ssyncset.done $0x0  }
0xd1: {  	[sflag:s24] =	ssyncadd.s32 $0xFFFFFB00  }
0xd2: {  	_ =	swait.ge [sflag:s24], $0x500  }
0xd3: {  	[sflag:s24] =	ssyncset.done $0x0  }
0xd4: {  	[sflag:s24] =	ssyncadd.s32 $0xFFFFFB00  }
0xd5: {  	_ =	swait.ge [sflag:s24], $0x500  }
0xd6: {  	[sflag:s24] =	ssyncset.done $0x0  }
0xd7: {  	[sflag:s24] =	ssyncadd.s32 $0xFFFFFB00  }
0xd8: {  	_ =	swait.ge [sflag:s24], $0x500  }
0xd9: {  	[sflag:s24] =	ssyncset.done $0x0  }
0xda: {  	[sflag:s24] =	ssyncadd.s32 $0xFFFFFB00  }
0xdb: {  	_ =	swait.ge [sflag:s24], $0x500  }
0xdc: {  	[sflag:s24] =	ssyncset.done $0x0  }
0xdd: {  	[sflag:s24] =	ssyncadd.s32 $0xFFFFFB00  }
0xde: {  	_ =	swait.ge [sflag:s24], $0x500  }
0xdf: {  	[sflag:s24] =	ssyncset.done $0x0  }
0xe0: {  	[sflag:s24] =	ssyncadd.s32 $0xFFFFFB00  }
0xe1: {  	_ =	swait.ge [sflag:s24], $0x500  }
0xe2: {  	[sflag:s24] =	ssyncset.done $0x0  }
0xe3: {  	[sflag:s24] =	ssyncadd.s32 $0xFFFFFB00  }
0xe4: {  	s0 =	simm.s32 $0x1;
	_ =	swait.ge [sflag:s24], $0x500  }
0xe5: {  	s0 =	simm.s32 @!p0 $0x0;
	[sflag:s24] =	ssyncset.done $0x0  }
0xe6: {  	s0 =	smul.u32 $0x1F400, s0;
	[sflag:s24] =	ssyncadd.s32 $0xFFFFFB00  }
0xe7: {  	s1 =	simm.s32 $0x1;
	s14 =	sadd.s32 $0x0, s28;
	_ =	swait.ge [sflag:s24], $0x500  }
0xe8: {  	s1 =	simm.s32 @!p1 $0x0;
	s0 =	sshrl.u32 s0, $0x2;
	[sflag:s24] =	ssyncset.done $0x0  }
0xe9: {  	s31 =	smul.u32 $0x1F400, s1;
	s1 =	sadd.s32 $0x4E20, s0;
	[sflag:s24] =	ssyncadd.s32 $0xFFFFFB00  }
0xea: {  	[spmem:s2] =	stream.indirect.scatter.add.f32 [tilespmem:s1], [sflag:$0x2], $0x10, s14, s13, $0xb8;
	[tilespmem:$0x17020] =	vst v63  }
0xeb: {  	s14 =	sshrl.u32 s31, $0x2  }
0xec: {  	s0 =	simm.s32 $0x140;
	s31 =	sadd.s32 $0x4E20, s14  }
.LBB2_3:
0xed: {  	p2 =	sne.s32 s0, $0x1E00  }
.Ltmp2:
0xee: {  	_ = 	snop;
	(pc) =	sbr.rel @p2 .LBB2_3-.Ltmp2, $4  }
0xef: {  	_ = 	snop  }
0xf0: {  	s14 =	sshra.s32 s0, $0x2;
	s0 =	sadd.s32 $0x140, s0  }
0xf1: {  	s1 =	sadd.s32 $0x500, s1;
	s14 =	sadd.s32 s14, s28  }
0xf2: {  	[spmem:s2] =	stream.indirect.scatter.add.f32 [tilespmem:s1], [sflag:$0x2], $0x10, s14, s13, $0xb8;
	[tilespmem:$0x17020] =	vst v63  }
0xf3: {  	p2 =	seq.s32 s30, $0x0  }
0xf4: {  	s1 =	simm.s32 @!p2 $0x2  }
0xf5: {  	_ =	swait.ge @!p2 [sflag:s1], $0x500  }
0xf6: {  	[sflag:s1] =	ssyncset.done @!p2 $0x0  }
0xf7: {  	[sflag:s1] =	ssyncadd.s32 @!p2 $0xFFFFFB00  }
0xf8: {  	_ =	swait.ge @!p2 [sflag:s1], $0x500  }
0xf9: {  	[sflag:s1] =	ssyncset.done @!p2 $0x0  }
0xfa: {  	[sflag:s1] =	ssyncadd.s32 @!p2 $0xFFFFFB00  }
0xfb: {  	_ =	swait.ge @!p2 [sflag:s1], $0x500  }
0xfc: {  	[sflag:s1] =	ssyncset.done @!p2 $0x0  }
0xfd: {  	[sflag:s1] =	ssyncadd.s32 @!p2 $0xFFFFFB00  }
0xfe: {  	_ =	swait.ge @!p2 [sflag:s1], $0x500  }
0xff: {  	[sflag:s1] =	ssyncset.done @!p2 $0x0  }
0x100: {  	[sflag:s1] =	ssyncadd.s32 @!p2 $0xFFFFFB00  }
0x101: {  	_ =	swait.ge @!p2 [sflag:s1], $0x500  }
0x102: {  	[sflag:s1] =	ssyncset.done @!p2 $0x0  }
0x103: {  	[sflag:s1] =	ssyncadd.s32 @!p2 $0xFFFFFB00  }
0x104: {  	_ =	swait.ge @!p2 [sflag:s1], $0x500  }
0x105: {  	[sflag:s1] =	ssyncset.done @!p2 $0x0  }
0x106: {  	[sflag:s1] =	ssyncadd.s32 @!p2 $0xFFFFFB00  }
0x107: {  	_ =	swait.ge @!p2 [sflag:s1], $0x500  }
0x108: {  	[sflag:s1] =	ssyncset.done @!p2 $0x0  }
0x109: {  	[sflag:s1] =	ssyncadd.s32 @!p2 $0xFFFFFB00  }
0x10a: {  	_ =	swait.ge @!p2 [sflag:s1], $0x500  }
0x10b: {  	[sflag:s1] =	ssyncset.done @!p2 $0x0  }
0x10c: {  	[sflag:s1] =	ssyncadd.s32 @!p2 $0xFFFFFB00  }
0x10d: {  	_ =	swait.ge @!p2 [sflag:s1], $0x500  }
0x10e: {  	[sflag:s1] =	ssyncset.done @!p2 $0x0  }
0x10f: {  	[sflag:s1] =	ssyncadd.s32 @!p2 $0xFFFFFB00  }
0x110: {  	_ =	swait.ge @!p2 [sflag:s1], $0x500  }
0x111: {  	[sflag:s1] =	ssyncset.done @!p2 $0x0  }
0x112: {  	[sflag:s1] =	ssyncadd.s32 @!p2 $0xFFFFFB00  }
0x113: {  	_ =	swait.ge @!p2 [sflag:s1], $0x500  }
0x114: {  	[sflag:s1] =	ssyncset.done @!p2 $0x0  }
0x115: {  	[sflag:s1] =	ssyncadd.s32 @!p2 $0xFFFFFB00  }
0x116: {  	_ =	swait.ge @!p2 [sflag:s1], $0x500  }
0x117: {  	[sflag:s1] =	ssyncset.done @!p2 $0x0  }
0x118: {  	[sflag:s1] =	ssyncadd.s32 @!p2 $0xFFFFFB00  }
0x119: {  	_ =	swait.ge @!p2 [sflag:s1], $0x500  }
0x11a: {  	[sflag:s1] =	ssyncset.done @!p2 $0x0  }
0x11b: {  	[sflag:s1] =	ssyncadd.s32 @!p2 $0xFFFFFB00  }
0x11c: {  	_ =	swait.ge @!p2 [sflag:s1], $0x500  }
0x11d: {  	[sflag:s1] =	ssyncset.done @!p2 $0x0  }
0x11e: {  	[sflag:s1] =	ssyncadd.s32 @!p2 $0xFFFFFB00  }
0x11f: {  	_ =	swait.ge @!p2 [sflag:s1], $0x500  }
0x120: {  	[sflag:s1] =	ssyncset.done @!p2 $0x0  }
0x121: {  	[sflag:s1] =	ssyncadd.s32 @!p2 $0xFFFFFB00  }
0x122: {  	_ =	swait.ge @!p2 [sflag:s1], $0x500  }
0x123: {  	[sflag:s1] =	ssyncset.done @!p2 $0x0  }
0x124: {  	[sflag:s1] =	ssyncadd.s32 @!p2 $0xFFFFFB00  }
0x125: {  	_ =	swait.ge @!p2 [sflag:s1], $0x500  }
0x126: {  	[sflag:s1] =	ssyncset.done @!p2 $0x0  }
0x127: {  	[sflag:s1] =	ssyncadd.s32 @!p2 $0xFFFFFB00  }
0x128: {  	_ =	swait.ge @!p2 [sflag:s1], $0x500  }
0x129: {  	[sflag:s1] =	ssyncset.done @!p2 $0x0  }
0x12a: {  	[sflag:s1] =	ssyncadd.s32 @!p2 $0xFFFFFB00  }
0x12b: {  	_ =	swait.ge @!p2 [sflag:s1], $0x500  }
0x12c: {  	[sflag:s1] =	ssyncset.done @!p2 $0x0  }
0x12d: {  	[sflag:s1] =	ssyncadd.s32 @!p2 $0xFFFFFB00  }
0x12e: {  	_ =	swait.ge @!p2 [sflag:s1], $0x500  }
0x12f: {  	[sflag:s1] =	ssyncset.done @!p2 $0x0  }
0x130: {  	[sflag:s1] =	ssyncadd.s32 @!p2 $0xFFFFFB00  }
0x131: {  	_ =	swait.ge @!p2 [sflag:s1], $0x500  }
0x132: {  	[sflag:s1] =	ssyncset.done @!p2 $0x0  }
0x133: {  	[sflag:s1] =	ssyncadd.s32 @!p2 $0xFFFFFB00  }
0x134: {  	_ =	swait.ge @!p2 [sflag:s1], $0x500  }
0x135: {  	[sflag:s1] =	ssyncset.done @!p2 $0x0  }
0x136: {  	[sflag:s1] =	ssyncadd.s32 @!p2 $0xFFFFFB00  }
0x137: {  	_ =	swait.ge @!p2 [sflag:s1], $0x500  }
0x138: {  	[sflag:s1] =	ssyncset.done @!p2 $0x0  }
0x139: {  	p3 =	seq.s32 @!p2 s30, $0x4;
	[sflag:s1] =	ssyncadd.s32 @!p2 $0xFFFFFB00  }
0x13a: {  	p3 =	por p2, !p3;
	_ =	swait.ge @!p2 [sflag:s1], $0x500  }
.Ltmp3:
0x13b: {  	[sflag:s1] =	ssyncset.done @!p2 $0x0;
	(pc) =	sbr.rel @!p3 .LBB2_8-.Ltmp3, $4  }
0x13c: {  	[sflag:s1] =	ssyncadd.s32 @!p2 $0xFFFFFB00  }
0x13d: {  	_ =	swait.ge @!p2 [sflag:s1], $0x500  }
0x13e: {  	[sflag:s1] =	ssyncset.done @!p2 $0x0  }
0x13f: {  	[sflag:s1] =	ssyncadd.s32 @!p2 $0xFFFFFB00  }
0x140: {  	s0 =	sadd.s32 $0x0, s29  }
0x141: {  	[tilespmem:s31], [sflag:$0x1] =	stream.indirect.gather [hbm4b:s4+s13], $0x10, s0, s13, $0xb8;
	[tilespmem:$0x17020] =	vst v63  }
0x142: {  	s0 =	simm.s32 $0x140  }
.LBB2_6:
0x143: {  	p2 =	sne.s32 s0, $0x1E00  }
.Ltmp4:
0x144: {  	_ = 	snop;
	(pc) =	sbr.rel @p2 .LBB2_6-.Ltmp4, $4  }
0x145: {  	_ = 	snop  }
0x146: {  	s1 =	sshra.s32 s0, $0x2;
	s0 =	sadd.s32 $0x140, s0  }
0x147: {  	s31 =	sadd.s32 $0x500, s31;
	s1 =	sadd.s32 s1, s29  }
0x148: {  	[tilespmem:s31], [sflag:$0x1] =	stream.indirect.gather [hbm4b:s4+s13], $0x10, s1, s13, $0xb8;
	[tilespmem:$0x17020] =	vst v63  }
0x149: {  	s30 =	sadd.s32 $0x1, s30  }
0x14a: {  	p2 =	sne.s32 s30, $0x5  }
.Ltmp5:
0x14b: {  	_ = 	snop;
	(pc) =	sbr.rel @p2 .LBB2_2-.Ltmp5, $4  }
.Ltmp6:
0x14c: {  	_ = 	snop;
	(pc) =	sbr.rel @!p2 .LBB2_8-.Ltmp6, $4  }
0x14d: {  	_ = 	snop  }
0x14e: {  	s28 =	sadd.s32 $0x7D0, s28  }
0x14f: {  	p0 =	por !p0, !p0;
	p1 =	por !p1, !p1;
	s29 =	sadd.s32 $0x7D0, s29  }
0x150: {  	_ = 	snop  }
.LBB2_9:
0x151: {  	_ =	sfence.sel $0x180000  }
0x152: {  	[bflag:$0x0] =	sbarrier.arrive $0xFFFF  }
0x153: {  	_ =	strace $0x9000004A  }
0x154: {  	s0 =	stileid.u32;
	[bflag:$0x2] =	sbarrier.arrive $0xFFFF  }
0x155: {  	p0 =	sne.s32 s0, $0x0;
	s0 =	rddreg [dreg:$0x2]  }
0x156: {  	s0 =	sadd.s32 @!p0 $0x100000, s0  }
0x157: {  	[sflag:s0] =	ssyncadd.tile.s32 @!p0 $0x1;
	_ =	shalt  }
.Lfunc_end2:
_tile_overlayer_lowered:
.L_overlay_start_2:
0x158: {  	(tag) =	ssettag $0x2  }
0x159: {  	s0 =	rddreg [dreg:$0x0];
	s2 =	stileid.u32  }
0x15a: {  	s1 =	rddreg [dreg:$0x1];
	p0 =	sne.s32 s2, $0x0  }
0x15b: {  	s3 =	rddreg [dreg:$0x2];
	[bflag:$0x3] =	sbarrier.arrive $0xFFFF;
	s2 =	simm.s32 @!p0 $0x1C03  }
0x15c: {  	[timem:s3], [sflag:s2] =	dma.local @!p0 [hbm:s0], s1  }
0x15d: {  	s0 =	simm.s32 @!p0 $0x3  }
0x15e: {  	_ =	swait.ge @!p0 [sflag:s0], s1  }
0x15f: {  	s1 =	ssub.s32 @!p0 $0x0, s1;
	[sflag:s0] =	ssyncset.done @!p0 $0x0  }
0x160: {  	[sflag:s0] =	ssyncadd.s32 @!p0 s1  }
0x161: {  	[bflag:$0x3] =	sbarrier.arrive $0xFFFF  }
0x162: {  	_ =	shalt  }

// kernel: kernel.15.cloned.1.call-start
scs
__scs_entry_jumppad:
0x0: {  	(pc) =	sbr.rel $0x88, $3  }
0x1: {  	(tag) =	ssettag $0x0;
	lr =	simm.s32 $0x1  }
0x2: {  	[smem:$0x3F9A] =	sst lr;
	_ =	strace $0xD0000000  }
0x3: {  	_ = 	snop  }
0x4: {  	_ = 	snop  }
0x5: {  	_ = 	snop  }
0x6: {  	_ = 	snop  }
0x7: {  	_ = 	snop  }
__scs_overlays_trampoline_lowered:
0x8: {  	[smem:$0x3FA9] =	sst s0  }
0x9: {  	[smem:$0x3FAA] =	sst s1  }
0xa: {  	[smem:$0x3FAB] =	sst s2  }
0xb: {  	[smem:$0x3FAC] =	sst s3  }
0xc: {  	[smem:$0x3FAD] =	sst s4  }
0xd: {  	[smem:$0x3FAE] =	sst s5  }
0xe: {  	[smem:$0x3FAF] =	sst s6  }
0xf: {  	[smem:$0x3FB0] =	sst s7  }
0x10: {  	[smem:$0x3FB1] =	sst s8  }
0x11: {  	[smem:$0x3FB2] =	sst s9;
	s0 =	simm.s32 @!p0 $0x0  }
0x12: {  	s1 =	sld [smem:$0x3F98];
	s0 =	simm.s32 @p0 $0x1  }
0x13: {  	[smem:$0x3FB3] =	sst s0;
	s0 =	simm.s32 @!p1 $0x0  }
0x14: {  	s2 =	sld [smem:$0x3F97];
	s0 =	simm.s32 @p1 $0x1  }
0x15: {  	[smem:$0x3FB4] =	sst s0;
	s0 =	simm.s32 @!p2 $0x0  }
0x16: {  	s3 =	sld [smem:$0x3FDB];
	s0 =	simm.s32 @p2 $0x1  }
0x17: {  	s4 =	simm.s32 $0x1BF5;
	[smem:$0x3FB6] =	sst s0  }
0x18: {  	s0 =	sld [smem:$0x3F99];
	_ =	swait.ge [sflag:s4], $0x0  }
0x19: {  	s7 =	sld [smem:$0x3F9A]  }
0x1a: {  	s8 =	sadd.s32 $0xFFFFE003, lr  }
0x1b: {  	s9 =	sadd.s32 $0xFFFFFEF7, lr;
	s5 =	simm.s32 $0xFFFFFFFF;
	p2 =	slt.u32 s8, $0xFFFFF086  }
0x1c: {  	p1 =	slt.u32 s9, $0xF7A;
	s5 =	simm.s32 @!p2 $0x0  }
0x1d: {  	s5 =	simm.s32 @p1 $0x1;
	p0 =	seq.s32 s7, s2  }
0x1e: {  	s7 =	smul.u32 @!p0 $0xF7A, s2;
	p2 =	seq.s32 @!p0 s5, $0x0  }
0x1f: {  	s9 =	smul.u32 $0xF7A, s1;
	s8 =	simm.s32 @!p0 $0x1BF5;
	p2 =	por !p2, p0  }
0x20: {  	[sflag:s8] =	ssyncset.s32 @!p0 $0xFFFFF086;
	s6 =	sadd.s32 @!p0 s3, s7;
	s7 =	simm.s32 @!p0 $0x108  }
0x21: {  	s3 =	sadd.s32 s3, s9;
	s6 =	sadd.s32 @!p0 $0x88, s6;
	s7 =	simm.s32 @p2 $0x1082  }
0x22: {  	[simem:s7], [sflag:s8] =	dma.local @!p0 [hbm:s6], $0xF7A  }
0x23: {  	s9 =	sor.u32 $0xD0000000, s2;
	s6 =	simm.s32 $0x108;
	_ =	swait.ge @!p0 [sflag:s8], $0x0  }
0x24: {  	s3 =	sadd.s32 $0x88, s3;
	s6 =	simm.s32 @!p1 $0x1082;
	[sflag:s4] =	ssyncset.s32 $0xFFFFF086  }
0x25: {  	[simem:s6], [sflag:s4] =	dma.local [hbm:s3], $0xF7A  }
0x26: {  	[smem:$0x3F9A] =	sst s1;
	(tag) =	ssettag s2;
	_ =	strace s9  }
0x27: {  	s1 =	sld [smem:$0x3FAA]  }
0x28: {  	s2 =	sld [smem:$0x3FAB]  }
0x29: {  	s4 =	sld [smem:$0x3FAD]  }
0x2a: {  	p0 =	seq.s32 s5, $0x0;
	s5 =	sld [smem:$0x3FAE]  }
0x2b: {  	s6 =	sld [smem:$0x3FAF]  }
0x2c: {  	s7 =	sld [smem:$0x3FB0]  }
0x2d: {  	s3 =	simm.s32 $0x108;
	s8 =	sld [smem:$0x3FB1]  }
0x2e: {  	s3 =	simm.s32 @!p0 $0x1082;
	s9 =	sld [smem:$0x3FB2]  }
0x2f: {  	lr =	sadd.s32 s0, s3;
	s0 =	sld [smem:$0x3FA9]  }
0x30: {  	s3 =	sld [smem:$0x3FAC]  }
0x31: {  	[smem:$0x3FB5] =	sst s10  }
0x32: {  	s10 =	sld [smem:$0x3FB3];
	_ =	sdelay $0x3  }
0x33: {  	p0 =	seq.s32 s10, $0x1;
	s10 =	sld [smem:$0x3FB5];
	_ =	sdelay $0x3  }
0x34: {  	[smem:$0x3FB5] =	sst s10  }
0x35: {  	s10 =	sld [smem:$0x3FB4];
	_ =	sdelay $0x3  }
0x36: {  	p1 =	seq.s32 s10, $0x1;
	s10 =	sld [smem:$0x3FB5];
	_ =	sdelay $0x3  }
0x37: {  	[smem:$0x3FB5] =	sst s10  }
0x38: {  	s10 =	sld [smem:$0x3FB6]  }
0x39: {  	_ = 	snop;
	(pc) =	sbr.ind lr, $3  }
0x3a: {  	_ = 	snop  }
0x3b: {  	_ = 	snop  }
0x3c: {  	p2 =	seq.s32 s10, $0x1;
	s10 =	sld [smem:$0x3FB5]  }
0x3d: {  	_ =	shalt  }
0x3e: {  	_ =	shalt  }
0x3f: {  	_ =	shalt  }
0x40: {  	_ =	shalt  }
0x41: {  	_ =	shalt  }
0x42: {  	_ =	shalt  }
0x43: {  	_ =	shalt  }
0x44: {  	_ =	shalt  }
0x45: {  	_ =	shalt  }
0x46: {  	_ =	shalt  }
0x47: {  	_ =	shalt  }
0x48: {  	_ =	shalt  }
0x49: {  	_ =	shalt  }
0x4a: {  	_ =	shalt  }
0x4b: {  	_ =	shalt  }
0x4c: {  	_ =	shalt  }
0x4d: {  	_ =	shalt  }
0x4e: {  	_ =	shalt  }
0x4f: {  	_ =	shalt  }
0x50: {  	_ =	shalt  }
0x51: {  	_ =	shalt  }
0x52: {  	_ =	shalt  }
0x53: {  	_ =	shalt  }
0x54: {  	_ =	shalt  }
0x55: {  	_ =	shalt  }
0x56: {  	_ =	shalt  }
0x57: {  	_ =	shalt  }
0x58: {  	_ =	shalt  }
0x59: {  	_ =	shalt  }
0x5a: {  	_ =	shalt  }
0x5b: {  	_ =	shalt  }
0x5c: {  	_ =	shalt  }
0x5d: {  	_ =	shalt  }
0x5e: {  	_ =	shalt  }
0x5f: {  	_ =	shalt  }
0x60: {  	_ =	shalt  }
0x61: {  	_ =	shalt  }
0x62: {  	_ =	shalt  }
0x63: {  	_ =	shalt  }
0x64: {  	_ =	shalt  }
0x65: {  	_ =	shalt  }
0x66: {  	_ =	shalt  }
0x67: {  	_ =	shalt  }
0x68: {  	_ =	shalt  }
0x69: {  	_ =	shalt  }
0x6a: {  	_ =	shalt  }
0x6b: {  	_ =	shalt  }
0x6c: {  	_ =	shalt  }
0x6d: {  	_ =	shalt  }
0x6e: {  	_ =	shalt  }
0x6f: {  	_ =	shalt  }
0x70: {  	_ =	shalt  }
0x71: {  	_ =	shalt  }
0x72: {  	_ =	shalt  }
0x73: {  	_ =	shalt  }
0x74: {  	_ =	shalt  }
0x75: {  	_ =	shalt  }
0x76: {  	_ =	shalt  }
0x77: {  	_ =	shalt  }
0x78: {  	_ =	shalt  }
0x79: {  	_ =	shalt  }
0x7a: {  	_ =	shalt  }
0x7b: {  	_ =	shalt  }
0x7c: {  	_ =	shalt  }
0x7d: {  	_ =	shalt  }
0x7e: {  	_ =	shalt  }
0x7f: {  	_ =	shalt  }
0x80: {  	_ =	shalt  }
0x81: {  	_ =	shalt  }
0x82: {  	_ =	shalt  }
0x83: {  	_ =	shalt  }
0x84: {  	_ =	shalt  }
0x85: {  	_ =	shalt  }
0x86: {  	_ =	shalt  }
0x87: {  	_ =	shalt  }
.Lfunc_end0:
.L_simem_size_0:
called_computation.2_lowered:
.L_overlay_start_0:
0x88: {  	s2 =	sld [smem:$0x3FD9]  }
0x89: {  	s3 =	sld [smem:$0x3FFE];
	_ =	sdelay $0x1  }
0x8a: {  	s1 =	srdreg.scid  }
0x8b: {  	s0 =	sand.u32 $0x1, s1  }
0x8c: {  	s17 =	sshll.u32 s0, $0xA;
	s2 =	sadd.s32 s3, s2  }
0x8d: {  	s2 =	sadd.s32 s2, s17  }
0x8e: {  	[smem:$0x3FC1] =	sst s2  }
0x8f: {  	_ = 	snop  }
0x90: {  	s2 =	sld [smem:$0x3FD0];
	(tm) =	ssettm $0x1  }
0x91: {  	s18 =	sld [smem:$0x3FFB];
	_ =	sdelay $0x3  }
0x92: {  	_ =	strace s18  }
0x93: {  	s3 =	sld [smem:$0x3FFC];
	_ =	sdelay $0x3  }
0x94: {  	_ =	strace s3  }
0x95: {  	s3 =	sld [smem:$0x3FFD];
	_ =	sdelay $0x3  }
0x96: {  	_ =	strace s3  }
0x97: {  	_ =	strace $0x8FFFFFFF  }
0x98: {  	s19 =	sld [smem:$0x3FDB];
	_ =	sdelay $0x1  }
0x99: {  	s4 =	simm.s32 $_scs_section_size  }
0x9a: {  	s5 =	simm.s32 $_size__tile_overlayer_lowered;
	s6 =	simm.s32 $_tile_overlayer_lowered  }
0x9b: {  	s22 =	simm.s32 $0x1BFF;
	s21 =	sshll.u32 s6, $0x1;
	s3 =	sadd.s32 s4, s19  }
0x9c: {  	s7 =	simm.s32 $0x0;
	s20 =	sshll.u32 s5, $0x1;
	s5 =	sadd.s32 s21, s3  }
0x9d: {  	[timem:s7], [sflag:s22] =	dma.local [hbm:s5], s20  }
0x9e: {  	_ =	swait.ge [sflag:s22], s20  }
0x9f: {  	s4 =	ssub.s32 $0x0, s20;
	[sflag:s22] =	ssyncset.done $0x0  }
0xa0: {  	[sflag:s22] =	ssyncadd.s32 s4;
	_ =	sdelay $0x1  }
0xa1: {  	s23 =	simm.s32 $0x1B8B  }
0xa2: {  	_ =	swait.ge [sflag:s23], $0x1  }
0xa3: {  	[sflag:s23] =	ssyncset.done $0x0  }
0xa4: {  	s25 =	simm.s32 $0x1B8E;
	s24 =	sld [smem:$0x3FFE];
	[sflag:s23] =	ssyncadd.s32 $0xFFFFFFFF  }
0xa5: {  	s26 =	simm.s32 $execute0_lowered;
	[smem:$0x3FD2] =	sst s25  }
0xa6: {  	s5 =	sshll.u32 s26, $0x1;
	_ =	strace $0x8000004C;
	[dreg:$0x1] =	wrdreg $0xFFFFFFFF  }
0xa7: {  	s28 =	simm.s32 $_size_execute0_lowered;
	s3 =	sadd.s32 s3, s5;
	[dreg:$0x0] =	wrdreg $0x0  }
0xa8: {  	s5 =	sshll.u32 s28, $0x1;
	[dreg:$0x2] =	wrdreg s3  }
0xa9: {  	[dreg:$0x3] =	wrdreg s5  }
0xaa: {  	[dreg:$0x4] =	wrdreg $0xC0  }
0xab: {  	_ =	task [dreg:s7], $0x5FFFF  }
0xac: {  	[dreg:$0x1] =	wrdreg $0xFFFFFFFF  }
0xad: {  	[dreg:$0x0] =	wrdreg $0x60  }
0xae: {  	[dreg:$0x2] =	wrdreg s24  }
0xaf: {  	[dreg:$0x3] =	wrdreg s2  }
0xb0: {  	[dreg:$0x4] =	wrdreg $0x60380  }
0xb1: {  	[dreg:$0x5] =	wrdreg $0x5DC00  }
0xb2: {  	[dreg:$0x6] =	wrdreg $0x9  }
0xb3: {  	_ =	task.clear_ibuf [dreg:s7], $0x7FFFF;
	_ =	strace $0x9000004C  }
0xb4: {  	s29 =	simm.s32 $0x9;
	_ =	strace $0x8000004E  }
0xb5: {  	_ =	swait.ge [sflag:s29], $0x1  }
0xb6: {  	[sflag:s29] =	ssyncadd.s32 $0xFFFFFFFF  }
0xb7: {  	_ =	strace $0x9000004E  }
0xb8: {  	_ =	sfence  }
0xb9: {  	s30 =	sld [smem:$0x0];
	_ =	sdelay $0x2  }
0xba: {  	s31 =	sshll.u32 s1, $0xD;
	s1 =	sshrl.u32 s1, $0x2  }
0xbb: {  	s3 =	sand.u32 $0x4000, s31;
	s1 =	sadd.s32 s1, s30  }
0xbc: {  	s0 =	sor.u32 s3, s0;
	s1 =	sshll.u32 s1, $0x11  }
0xbd: {  	s0 =	sor.u32 s1, s0  }
0xbe: {  	s0 =	sadd.s32 $0x8F2B, s0  }
0xbf: {  	[sflag:s0] =	ssyncadd.remote.s32 $0x1  }
0xc0: {  	_ =	sfence.sel $0xFFFF  }
0xc1: {  	[dreg:$0x0] =	wrdreg $0xFFFFFFFF;
	(pc) =	sbr.abs _section_cstart, $3  }
0xc2: {  	[dreg:$0x1] =	wrdreg $0xFFFFFFFF  }
0xc3: {  	_ =	task.clear_ibuf [dreg:s7], $0x2FFFF;
	_ =	strace $0x9FFFFFFF  }
0xc4: {  	(tm) =	ssettm $0x7FFFFFFF  }
0xc5: {  	_ =	shalt  }
tec
execute0_lowered:
.L_overlay_start_1:
0x0: {  	(tag) =	ssettag $0x1  }
0x1: {  	s0 =	srdreg.scid  }
0x2: {  	s1 =	rddreg [dreg:$0x0];
	s11 =	stileid.u32  }
0x3: {  	s4 =	simm.s32 $0x0;
	s14 =	simm.s32 $0x50;
	s20 =	simm.s32 $0x54B0  }
0x4: {  	s21 =	simm.s32 $0x6E0;
	s22 =	simm.s32 $0x5500;
	s23 =	simm.s32 $0x730  }
0x5: {  	s24 =	simm.s32 $0x5550;
	s25 =	simm.s32 $0x780;
	s26 =	simm.s32 $0x55A0  }
0x6: {  	s28 =	simm.s32 $0x1;
	s29 =	simm.s32 $0x2;
	s30 =	simm.s32 $0x0  }
0x7: {  	s0 =	sand.u32 $0x1, s0;
	s6 =	smul.u32 $0x280, s11;
	[smem:$0x7FF] =	sst s4  }
0x8: {  	s9 =	sshll.u32 s11, $0x6;
	p0 =	sne.s32 s11, $0x0;
	s2 =	sshll.u32 s0, $0x4  }
0x9: {  	s7 =	smul.u32 $0x2800, s0;
	s0 =	ssub.s32 $0x2, s0;
	s3 =	sor.u32 s11, s2  }
0xa: {  	s2 =	rddreg [dreg:$0x2];
	s31 =	sshrl.u32 s0, $0x1;
	s5 =	smul.u32 $0x4E2, s3  }
0xb: {  	s3 =	rddreg [dreg:$0x3];
	_ =	strace $0x8000004D;
	s7 =	sadd.s32 s6, s7  }
.Ltmp0:
0xc: {  	s0 =	ssub.s32 s0, s31;
	s12 =	sadd.s32 s6, s2;
	(pc) =	sbr.rel .LBB2_1-.Ltmp0, $4  }
0xd: {  	s6 =	sor.u32 $0x1C03, s9;
	s7 =	sshrl.u32 s7, $0x3;
	s10 =	smax.u32 s0, $0x1  }
0xe: {  	s11 =	sshrl.u32 s12, $0x3;
	s12 =	simm.s32 $0x3;
	s13 =	sshrl.u32 @!p0 s3, $0x3  }
0xf: {  	s8 =	sadd.s32 s5, s1;
	s5 =	sadd.s32 $0x16600, s1;
	s1 =	sadd.s32 s7, s1  }
0x10: {  	s7 =	sadd.s32 $0x2A00, s8;
	s8 =	sadd.s32 $0xC800, s8;
	s9 =	sadd.s32 $0x16C00, s1  }
.LBB2_8:
0x11: {  	_ =	swait.ge [sflag:s29], $0x50  }
0x12: {  	[sflag:s29] =	ssyncset.done $0x0  }
0x13: {  	[sflag:s29] =	ssyncadd.s32 $0xFFFFFFB0  }
0x14: {  	_ =	swait.ge [sflag:s29], $0x50  }
0x15: {  	[sflag:s29] =	ssyncset.done $0x0  }
0x16: {  	[sflag:s29] =	ssyncadd.s32 $0xFFFFFFB0  }
0x17: {  	_ =	swait.ge [sflag:s29], $0x50  }
0x18: {  	[sflag:s29] =	ssyncset.done $0x0  }
0x19: {  	[sflag:s29] =	ssyncadd.s32 $0xFFFFFFB0  }
0x1a: {  	_ =	swait.ge [sflag:s29], $0x50  }
0x1b: {  	[sflag:s29] =	ssyncset.done $0x0  }
0x1c: {  	[sflag:s29] =	ssyncadd.s32 $0xFFFFFFB0  }
0x1d: {  	_ =	swait.ge [sflag:s29], $0x50  }
0x1e: {  	[sflag:s29] =	ssyncset.done $0x0  }
0x1f: {  	[sflag:s29] =	ssyncadd.s32 $0xFFFFFFB0  }
0x20: {  	_ =	swait.ge [sflag:s29], $0x50  }
0x21: {  	[sflag:s29] =	ssyncset.done $0x0  }
0x22: {  	[sflag:s29] =	ssyncadd.s32 $0xFFFFFFB0  }
0x23: {  	_ =	swait.ge [sflag:s29], $0x50  }
0x24: {  	[sflag:s29] =	ssyncset.done $0x0  }
0x25: {  	[sflag:s29] =	ssyncadd.s32 $0xFFFFFFB0  }
0x26: {  	_ =	swait.ge [sflag:s29], $0x50  }
0x27: {  	[sflag:s29] =	ssyncset.done $0x0  }
0x28: {  	[sflag:s29] =	ssyncadd.s32 $0xFFFFFFB0  }
0x29: {  	_ =	swait.ge [sflag:s29], $0x50  }
0x2a: {  	[sflag:s29] =	ssyncset.done $0x0  }
0x2b: {  	[sflag:s29] =	ssyncadd.s32 $0xFFFFFFB0  }
0x2c: {  	_ =	swait.ge [sflag:s29], $0x50  }
0x2d: {  	[sflag:s29] =	ssyncset.done $0x0  }
0x2e: {  	[sflag:s29] =	ssyncadd.s32 $0xFFFFFFB0  }
0x2f: {  	_ =	swait.ge [sflag:s29], $0x50  }
0x30: {  	[sflag:s29] =	ssyncset.done $0x0  }
0x31: {  	[sflag:s29] =	ssyncadd.s32 $0xFFFFFFB0  }
0x32: {  	_ =	swait.ge [sflag:s29], $0x50  }
0x33: {  	[sflag:s29] =	ssyncset.done $0x0  }
0x34: {  	[sflag:s29] =	ssyncadd.s32 $0xFFFFFFB0  }
0x35: {  	_ =	swait.ge [sflag:s29], $0x50  }
0x36: {  	[sflag:s29] =	ssyncset.done $0x0  }
0x37: {  	[sflag:s29] =	ssyncadd.s32 $0xFFFFFFB0  }
0x38: {  	_ =	swait.ge [sflag:s29], $0x50  }
0x39: {  	[sflag:s29] =	ssyncset.done $0x0  }
0x3a: {  	[sflag:s29] =	ssyncadd.s32 $0xFFFFFFB0  }
0x3b: {  	_ =	swait.ge [sflag:s29], $0x50  }
0x3c: {  	[sflag:s29] =	ssyncset.done $0x0  }
0x3d: {  	[sflag:s29] =	ssyncadd.s32 $0xFFFFFFB0  }
0x3e: {  	_ =	swait.ge [sflag:s29], $0x50  }
0x3f: {  	[sflag:s29] =	ssyncset.done $0x0  }
0x40: {  	[sflag:s29] =	ssyncadd.s32 $0xFFFFFFB0  }
0x41: {  	_ =	swait.ge [sflag:s29], $0x50  }
0x42: {  	[sflag:s29] =	ssyncset.done $0x0  }
0x43: {  	[sflag:s29] =	ssyncadd.s32 $0xFFFFFFB0  }
0x44: {  	_ =	swait.ge [sflag:s29], $0x50  }
0x45: {  	[sflag:s29] =	ssyncset.done $0x0  }
0x46: {  	[sflag:s29] =	ssyncadd.s32 $0xFFFFFFB0  }
0x47: {  	_ =	swait.ge [sflag:s29], $0x50  }
0x48: {  	[sflag:s29] =	ssyncset.done $0x0  }
0x49: {  	[sflag:s29] =	ssyncadd.s32 $0xFFFFFFB0  }
0x4a: {  	_ =	swait.ge [sflag:s29], $0x50  }
0x4b: {  	[sflag:s29] =	ssyncset.done $0x0  }
0x4c: {  	[sflag:s29] =	ssyncadd.s32 $0xFFFFFFB0  }
0x4d: {  	_ =	swait.ge [sflag:s29], $0x50  }
0x4e: {  	[sflag:s29] =	ssyncset.done $0x0  }
0x4f: {  	[sflag:s29] =	ssyncadd.s32 $0xFFFFFFB0  }
0x50: {  	_ =	swait.ge [sflag:s29], $0x50  }
0x51: {  	[sflag:s29] =	ssyncset.done $0x0  }
0x52: {  	[sflag:s29] =	ssyncadd.s32 $0xFFFFFFB0  }
0x53: {  	_ =	swait.ge [sflag:s29], $0x50  }
0x54: {  	[sflag:s29] =	ssyncset.done $0x0  }
0x55: {  	[sflag:s29] =	ssyncadd.s32 $0xFFFFFFB0  }
0x56: {  	_ =	swait.ge [sflag:s29], $0x50  }
0x57: {  	[sflag:s29] =	ssyncset.done $0x0  }
0x58: {  	[sflag:s29] =	ssyncadd.s32 $0xFFFFFFB0  }
0x59: {  	_ =	swait.ge [sflag:s29], $0x50  }
0x5a: {  	s30 =	sadd.s32 $0x1, s30;
	[sflag:s29] =	ssyncset.done $0x0  }
0x5b: {  	p1 =	sne.s32 s30, s10;
	[sflag:s29] =	ssyncadd.s32 $0xFFFFFFB0  }
.Ltmp1:
0x5c: {  	[bflag:$0x0] =	sbarrier.arrive $0xFFFF;
	(pc) =	sbr.rel @!p1 .LBB2_9-.Ltmp1, $4  }
0x5d: {  	[hbm:s9], [sflag:s6] =	dma.local [spmem:s11], $0x50  }
0x5e: {  	_ =	swait.ge [sflag:s12], $0x50  }
0x5f: {  	[sflag:s12] =	ssyncset.done $0x0  }
0x60: {  	[sflag:s12] =	ssyncadd.s32 $0xFFFFFFB0  }
.LBB2_1:
0x61: {  	s0 =	rddreg [dreg:$0x1]  }
0x62: {  	[spmem:s11], [sflag:s6] =	dma.local [hbm:s0], $0x50  }
0x63: {  	_ =	swait.ge [sflag:s12], $0x50  }
0x64: {  	[sflag:s12] =	ssyncset.done $0x0  }
0x65: {  	s0 =	simm.s32 @!p0 $0x3;
	[sflag:s12] =	ssyncadd.s32 $0xFFFFFFB0  }
0x66: {  	[spmem:s13], [sflag:s6] =	dma.local @!p0 [hbm:s5], $0x4E2  }
0x67: {  	_ =	swait.ge @!p0 [sflag:s0], $0x4E2  }
0x68: {  	[sflag:s0] =	ssyncset.done @!p0 $0x0  }
0x69: {  	[sflag:s0] =	ssyncadd.s32 @!p0 $0xFFFFFB1E  }
0x6a: {  	[tilespmem:s4], [sflag:$0x3] =	stream.linear.gather [hbm4b:s7+s4], $0x2710, $0x38;
	[tilespmem:$0x62B8] =	vst v63  }
0x6b: {  	_ =	swait.ge [sflag:s12], $0x2710  }
0x6c: {  	[sflag:s12] =	ssyncset.done $0x0  }
0x6d: {  	s31 =	simm.s32 $0x2710;
	[sflag:s12] =	ssyncadd.s32 $0xFFFFD8F0  }
0x6e: {  	[tilespmem:s31], [sflag:$0x3] =	stream.linear.gather [hbm4b:s8+s4], $0x2710, $0x38;
	[tilespmem:$0x62B8] =	vst v63  }
0x6f: {  	_ =	swait.ge [sflag:s12], $0x2710  }
0x70: {  	[sflag:s12] =	ssyncset.done $0x0  }
0x71: {  	[sflag:s12] =	ssyncadd.s32 $0xFFFFD8F0  }
0x72: {  	s15 =	simm.s32 $0x4E20;
	[bflag:$0x0] =	sbarrier.arrive $0xFFFF  }
0x73: {  	[tilespmem:s15], [sflag:$0x1] =	stream.indirect.gather [spmem:s3], $0x1, s4, s14, $0xb8;
	[tilespmem:$0x62B8] =	vst v63  }
0x74: {  	s16 =	simm.s32 $0x4E70  }
0x75: {  	[tilespmem:s16], [sflag:$0x1] =	stream.indirect.gather [spmem:s3], $0x1, s14, s14, $0xb8;
	[tilespmem:$0x62B8] =	vst v63  }
0x76: {  	s17 =	simm.s32 $0xA0;
	s1 =	simm.s32 $0x4EC0  }
0x77: {  	[tilespmem:s1], [sflag:$0x1] =	stream.indirect.gather [spmem:s3], $0x1, s17, s14, $0xb8;
	[tilespmem:$0x62B8] =	vst v63  }
0x78: {  	s18 =	simm.s32 $0xF0;
	s19 =	simm.s32 $0x4F10  }
0x79: {  	[tilespmem:s19], [sflag:$0x1] =	stream.indirect.gather [spmem:s3], $0x1, s18, s14, $0xb8;
	[tilespmem:$0x62B8] =	vst v63  }
0x7a: {  	s15 =	simm.s32 $0x4F60;
	s1 =	simm.s32 $0x140  }
0x7b: {  	[tilespmem:s15], [sflag:$0x1] =	stream.indirect.gather [spmem:s3], $0x1, s1, s14, $0xb8;
	[tilespmem:$0x62B8] =	vst v63  }
0x7c: {  	s16 =	simm.s32 $0x190;
	s17 =	simm.s32 $0x4FB0  }
0x7d: {  	[tilespmem:s17], [sflag:$0x1] =	stream.indirect.gather [spmem:s3], $0x1, s16, s14, $0xb8;
	[tilespmem:$0x62B8] =	vst v63  }
0x7e: {  	s18 =	simm.s32 $0x1E0;
	s19 =	simm.s32 $0x5000  }
0x7f: {  	[tilespmem:s19], [sflag:$0x1] =	stream.indirect.gather [spmem:s3], $0x1, s18, s14, $0xb8;
	[tilespmem:$0x62B8] =	vst v63  }
0x80: {  	s1 =	simm.s32 $0x230;
	s15 =	simm.s32 $0x5050  }
0x81: {  	[tilespmem:s15], [sflag:$0x1] =	stream.indirect.gather [spmem:s3], $0x1, s1, s14, $0xb8;
	[tilespmem:$0x62B8] =	vst v63  }
0x82: {  	s16 =	simm.s32 $0x280;
	s17 =	simm.s32 $0x50A0  }
0x83: {  	[tilespmem:s17], [sflag:$0x1] =	stream.indirect.gather [spmem:s3], $0x1, s16, s14, $0xb8;
	[tilespmem:$0x62B8] =	vst v63  }
0x84: {  	s18 =	simm.s32 $0x2D0;
	s19 =	simm.s32 $0x50F0  }
0x85: {  	[tilespmem:s19], [sflag:$0x1] =	stream.indirect.gather [spmem:s3], $0x1, s18, s14, $0xb8;
	[tilespmem:$0x62B8] =	vst v63  }
0x86: {  	s1 =	simm.s32 $0x320;
	s15 =	simm.s32 $0x5140  }
0x87: {  	[tilespmem:s15], [sflag:$0x1] =	stream.indirect.gather [spmem:s3], $0x1, s1, s14, $0xb8;
	[tilespmem:$0x62B8] =	vst v63  }
0x88: {  	s16 =	simm.s32 $0x370;
	s17 =	simm.s32 $0x5190  }
0x89: {  	[tilespmem:s17], [sflag:$0x1] =	stream.indirect.gather [spmem:s3], $0x1, s16, s14, $0xb8;
	[tilespmem:$0x62B8] =	vst v63  }
0x8a: {  	s18 =	simm.s32 $0x3C0;
	s19 =	simm.s32 $0x51E0  }
0x8b: {  	[tilespmem:s19], [sflag:$0x1] =	stream.indirect.gather [spmem:s3], $0x1, s18, s14, $0xb8;
	[tilespmem:$0x62B8] =	vst v63  }
0x8c: {  	s1 =	simm.s32 $0x410;
	s15 =	simm.s32 $0x5230  }
0x8d: {  	[tilespmem:s15], [sflag:$0x1] =	stream.indirect.gather [spmem:s3], $0x1, s1, s14, $0xb8;
	[tilespmem:$0x62B8] =	vst v63  }
0x8e: {  	s16 =	simm.s32 $0x460;
	s17 =	simm.s32 $0x5280  }
0x8f: {  	[tilespmem:s17], [sflag:$0x1] =	stream.indirect.gather [spmem:s3], $0x1, s16, s14, $0xb8;
	[tilespmem:$0x62B8] =	vst v63  }
0x90: {  	s18 =	simm.s32 $0x4B0;
	s19 =	simm.s32 $0x52D0  }
0x91: {  	[tilespmem:s19], [sflag:$0x1] =	stream.indirect.gather [spmem:s3], $0x1, s18, s14, $0xb8;
	[tilespmem:$0x62B8] =	vst v63  }
0x92: {  	s1 =	simm.s32 $0x500;
	s15 =	simm.s32 $0x5320  }
0x93: {  	[tilespmem:s15], [sflag:$0x1] =	stream.indirect.gather [spmem:s3], $0x1, s1, s14, $0xb8;
	[tilespmem:$0x62B8] =	vst v63  }
0x94: {  	s16 =	simm.s32 $0x550;
	s17 =	simm.s32 $0x5370  }
0x95: {  	[tilespmem:s17], [sflag:$0x1] =	stream.indirect.gather [spmem:s3], $0x1, s16, s14, $0xb8;
	[tilespmem:$0x62B8] =	vst v63  }
0x96: {  	s18 =	simm.s32 $0x5A0;
	s19 =	simm.s32 $0x53C0  }
0x97: {  	[tilespmem:s19], [sflag:$0x1] =	stream.indirect.gather [spmem:s3], $0x1, s18, s14, $0xb8;
	[tilespmem:$0x62B8] =	vst v63  }
0x98: {  	s15 =	simm.s32 $0x5F0;
	s16 =	simm.s32 $0x5410  }
0x99: {  	[tilespmem:s16], [sflag:$0x1] =	stream.indirect.gather [spmem:s3], $0x1, s15, s14, $0xb8;
	[tilespmem:$0x62B8] =	vst v63  }
0x9a: {  	s17 =	simm.s32 $0x640;
	s18 =	simm.s32 $0x5460  }
0x9b: {  	[tilespmem:s18], [sflag:$0x1] =	stream.indirect.gather [spmem:s3], $0x1, s17, s14, $0xb8;
	[tilespmem:$0x62B8] =	vst v63  }
0x9c: {  	s19 =	simm.s32 $0x690  }
0x9d: {  	[tilespmem:s20], [sflag:$0x1] =	stream.indirect.gather [spmem:s3], $0x1, s19, s14, $0xb8;
	[tilespmem:$0x62B8] =	vst v63  }
0x9e: {  	_ = 	snop  }
0x9f: {  	[tilespmem:s22], [sflag:$0x1] =	stream.indirect.gather [spmem:s3], $0x1, s21, s14, $0xb8;
	[tilespmem:$0x62B8] =	vst v63  }
0xa0: {  	p1 =	por $0x0, $0x0  }
0xa1: {  	[tilespmem:s24], [sflag:$0x1] =	stream.indirect.gather [spmem:s3], $0x1, s23, s14, $0xb8;
	[tilespmem:$0x62B8] =	vst v63  }
0xa2: {  	p2 =	por $0x1, $0x1;
	s0 =	simm.s32 $0x0;
	s1 =	simm.s32 $0x7D0  }
0xa3: {  	[tilespmem:s26], [sflag:$0x1] =	stream.indirect.gather [spmem:s3], $0x1, s25, s14, $0xb8;
	[tilespmem:$0x62B8] =	vst v63  }
.LBB2_2:
0xa4: {  	_ =	swait.ge [sflag:s28], $0x50  }
0xa5: {  	[sflag:s28] =	ssyncset.done $0x0  }
0xa6: {  	[sflag:s28] =	ssyncadd.s32 $0xFFFFFFB0  }
0xa7: {  	_ =	swait.ge [sflag:s28], $0x50  }
0xa8: {  	[sflag:s28] =	ssyncset.done $0x0  }
0xa9: {  	[sflag:s28] =	ssyncadd.s32 $0xFFFFFFB0  }
0xaa: {  	_ =	swait.ge [sflag:s28], $0x50  }
0xab: {  	[sflag:s28] =	ssyncset.done $0x0  }
0xac: {  	[sflag:s28] =	ssyncadd.s32 $0xFFFFFFB0  }
0xad: {  	_ =	swait.ge [sflag:s28], $0x50  }
0xae: {  	[sflag:s28] =	ssyncset.done $0x0  }
0xaf: {  	[sflag:s28] =	ssyncadd.s32 $0xFFFFFFB0  }
0xb0: {  	_ =	swait.ge [sflag:s28], $0x50  }
0xb1: {  	[sflag:s28] =	ssyncset.done $0x0  }
0xb2: {  	[sflag:s28] =	ssyncadd.s32 $0xFFFFFFB0  }
0xb3: {  	_ =	swait.ge [sflag:s28], $0x50  }
0xb4: {  	[sflag:s28] =	ssyncset.done $0x0  }
0xb5: {  	[sflag:s28] =	ssyncadd.s32 $0xFFFFFFB0  }
0xb6: {  	_ =	swait.ge [sflag:s28], $0x50  }
0xb7: {  	[sflag:s28] =	ssyncset.done $0x0  }
0xb8: {  	[sflag:s28] =	ssyncadd.s32 $0xFFFFFFB0  }
0xb9: {  	_ =	swait.ge [sflag:s28], $0x50  }
0xba: {  	[sflag:s28] =	ssyncset.done $0x0  }
0xbb: {  	[sflag:s28] =	ssyncadd.s32 $0xFFFFFFB0  }
0xbc: {  	_ =	swait.ge [sflag:s28], $0x50  }
0xbd: {  	[sflag:s28] =	ssyncset.done $0x0  }
0xbe: {  	[sflag:s28] =	ssyncadd.s32 $0xFFFFFFB0  }
0xbf: {  	_ =	swait.ge [sflag:s28], $0x50  }
0xc0: {  	[sflag:s28] =	ssyncset.done $0x0  }
0xc1: {  	[sflag:s28] =	ssyncadd.s32 $0xFFFFFFB0  }
0xc2: {  	_ =	swait.ge [sflag:s28], $0x50  }
0xc3: {  	[sflag:s28] =	ssyncset.done $0x0  }
0xc4: {  	[sflag:s28] =	ssyncadd.s32 $0xFFFFFFB0  }
0xc5: {  	_ =	swait.ge [sflag:s28], $0x50  }
0xc6: {  	[sflag:s28] =	ssyncset.done $0x0  }
0xc7: {  	[sflag:s28] =	ssyncadd.s32 $0xFFFFFFB0  }
0xc8: {  	_ =	swait.ge [sflag:s28], $0x50  }
0xc9: {  	[sflag:s28] =	ssyncset.done $0x0  }
0xca: {  	[sflag:s28] =	ssyncadd.s32 $0xFFFFFFB0  }
0xcb: {  	_ =	swait.ge [sflag:s28], $0x50  }
0xcc: {  	[sflag:s28] =	ssyncset.done $0x0  }
0xcd: {  	[sflag:s28] =	ssyncadd.s32 $0xFFFFFFB0  }
0xce: {  	_ =	swait.ge [sflag:s28], $0x50  }
0xcf: {  	[sflag:s28] =	ssyncset.done $0x0  }
0xd0: {  	[sflag:s28] =	ssyncadd.s32 $0xFFFFFFB0  }
0xd1: {  	_ =	swait.ge [sflag:s28], $0x50  }
0xd2: {  	[sflag:s28] =	ssyncset.done $0x0  }
0xd3: {  	[sflag:s28] =	ssyncadd.s32 $0xFFFFFFB0  }
0xd4: {  	_ =	swait.ge [sflag:s28], $0x50  }
0xd5: {  	[sflag:s28] =	ssyncset.done $0x0  }
0xd6: {  	[sflag:s28] =	ssyncadd.s32 $0xFFFFFFB0  }
0xd7: {  	_ =	swait.ge [sflag:s28], $0x50  }
0xd8: {  	[sflag:s28] =	ssyncset.done $0x0  }
0xd9: {  	[sflag:s28] =	ssyncadd.s32 $0xFFFFFFB0  }
0xda: {  	_ =	swait.ge [sflag:s28], $0x50  }
0xdb: {  	[sflag:s28] =	ssyncset.done $0x0  }
0xdc: {  	[sflag:s28] =	ssyncadd.s32 $0xFFFFFFB0  }
0xdd: {  	_ =	swait.ge [sflag:s28], $0x50  }
0xde: {  	[sflag:s28] =	ssyncset.done $0x0  }
0xdf: {  	[sflag:s28] =	ssyncadd.s32 $0xFFFFFFB0  }
0xe0: {  	_ =	swait.ge [sflag:s28], $0x50  }
0xe1: {  	[sflag:s28] =	ssyncset.done $0x0  }
0xe2: {  	[sflag:s28] =	ssyncadd.s32 $0xFFFFFFB0  }
0xe3: {  	_ =	swait.ge [sflag:s28], $0x50  }
0xe4: {  	[sflag:s28] =	ssyncset.done $0x0  }
0xe5: {  	[sflag:s28] =	ssyncadd.s32 $0xFFFFFFB0  }
0xe6: {  	_ =	swait.ge [sflag:s28], $0x50  }
0xe7: {  	[sflag:s28] =	ssyncset.done $0x0  }
0xe8: {  	s16 =	simm.s32 $0x1;
	[sflag:s28] =	ssyncadd.s32 $0xFFFFFFB0  }
0xe9: {  	s15 =	simm.s32 $0x1;
	s16 =	simm.s32 @!p1 $0x0;
	_ =	swait.ge [sflag:s28], $0x50  }
0xea: {  	s15 =	simm.s32 @!p2 $0x0;
	s16 =	smul.u32 $0x1F40, s16;
	[sflag:s28] =	ssyncset.done $0x0  }
0xeb: {  	s17 =	simm.s32 $0x140;
	s15 =	smul.u32 $0x1F40, s15;
	[sflag:s28] =	ssyncadd.s32 $0xFFFFFFB0  }
0xec: {  	s19 =	sadd.s32 $0x0, s31;
	s16 =	sshrl.u32 s16, $0x2;
	_ =	swait.ge [sflag:s28], $0x50  }
0xed: {  	s15 =	sshrl.u32 s15, $0x2;
	s16 =	sadd.s32 $0x4E20, s16;
	[sflag:s28] =	ssyncset.done $0x0  }
0xee: {  	s15 =	sadd.s32 $0x4E20, s15;
	s18 =	sadd.s32 $0x0, s16;
	[sflag:s28] =	ssyncadd.s32 $0xFFFFFFB0  }
.LBB2_3:
0xef: {  	[spmem:s2] =	stream.indirect.scatter.add.f32 [tilespmem:s18], [sflag:$0x2], $0x1, s19, s14, $0xb8;
	[tilespmem:$0x62B8] =	vst v63  }
0xf0: {  	s18 =	smov.u32 s17;
	p3 =	sne.s32 s17, $0x1E00  }
.Ltmp2:
0xf1: {  	s17 =	sadd.s32 $0x140, s17;
	(pc) =	sbr.rel @p3 .LBB2_3-.Ltmp2, $3  }
0xf2: {  	_ =	sdelay $0x1  }
0xf3: {  	s19 =	sshra.s32 s18, $0x2  }
0xf4: {  	s18 =	sadd.s32 s19, s16;
	s19 =	sadd.s32 s19, s31  }
0xf5: {  	[spmem:s2] =	stream.indirect.scatter.add.f32 [tilespmem:s18], [sflag:$0x2], $0x1, s19, s14, $0xb8;
	[tilespmem:$0x62B8] =	vst v63  }
0xf6: {  	p3 =	seq.s32 s0, $0x0  }
0xf7: {  	s16 =	simm.s32 @!p3 $0x2  }
0xf8: {  	_ =	swait.ge @!p3 [sflag:s16], $0x50  }
0xf9: {  	[sflag:s16] =	ssyncset.done @!p3 $0x0  }
0xfa: {  	[sflag:s16] =	ssyncadd.s32 @!p3 $0xFFFFFFB0  }
0xfb: {  	_ =	swait.ge @!p3 [sflag:s16], $0x50  }
0xfc: {  	[sflag:s16] =	ssyncset.done @!p3 $0x0  }
0xfd: {  	[sflag:s16] =	ssyncadd.s32 @!p3 $0xFFFFFFB0  }
0xfe: {  	_ =	swait.ge @!p3 [sflag:s16], $0x50  }
0xff: {  	[sflag:s16] =	ssyncset.done @!p3 $0x0  }
0x100: {  	[sflag:s16] =	ssyncadd.s32 @!p3 $0xFFFFFFB0  }
0x101: {  	_ =	swait.ge @!p3 [sflag:s16], $0x50  }
0x102: {  	[sflag:s16] =	ssyncset.done @!p3 $0x0  }
0x103: {  	[sflag:s16] =	ssyncadd.s32 @!p3 $0xFFFFFFB0  }
0x104: {  	_ =	swait.ge @!p3 [sflag:s16], $0x50  }
0x105: {  	[sflag:s16] =	ssyncset.done @!p3 $0x0  }
0x106: {  	[sflag:s16] =	ssyncadd.s32 @!p3 $0xFFFFFFB0  }
0x107: {  	_ =	swait.ge @!p3 [sflag:s16], $0x50  }
0x108: {  	[sflag:s16] =	ssyncset.done @!p3 $0x0  }
0x109: {  	[sflag:s16] =	ssyncadd.s32 @!p3 $0xFFFFFFB0  }
0x10a: {  	_ =	swait.ge @!p3 [sflag:s16], $0x50  }
0x10b: {  	[sflag:s16] =	ssyncset.done @!p3 $0x0  }
0x10c: {  	[sflag:s16] =	ssyncadd.s32 @!p3 $0xFFFFFFB0  }
0x10d: {  	_ =	swait.ge @!p3 [sflag:s16], $0x50  }
0x10e: {  	[sflag:s16] =	ssyncset.done @!p3 $0x0  }
0x10f: {  	[sflag:s16] =	ssyncadd.s32 @!p3 $0xFFFFFFB0  }
0x110: {  	_ =	swait.ge @!p3 [sflag:s16], $0x50  }
0x111: {  	[sflag:s16] =	ssyncset.done @!p3 $0x0  }
0x112: {  	[sflag:s16] =	ssyncadd.s32 @!p3 $0xFFFFFFB0  }
0x113: {  	_ =	swait.ge @!p3 [sflag:s16], $0x50  }
0x114: {  	[sflag:s16] =	ssyncset.done @!p3 $0x0  }
0x115: {  	[sflag:s16] =	ssyncadd.s32 @!p3 $0xFFFFFFB0  }
0x116: {  	_ =	swait.ge @!p3 [sflag:s16], $0x50  }
0x117: {  	[sflag:s16] =	ssyncset.done @!p3 $0x0  }
0x118: {  	[sflag:s16] =	ssyncadd.s32 @!p3 $0xFFFFFFB0  }
0x119: {  	_ =	swait.ge @!p3 [sflag:s16], $0x50  }
0x11a: {  	[sflag:s16] =	ssyncset.done @!p3 $0x0  }
0x11b: {  	[sflag:s16] =	ssyncadd.s32 @!p3 $0xFFFFFFB0  }
0x11c: {  	_ =	swait.ge @!p3 [sflag:s16], $0x50  }
0x11d: {  	[sflag:s16] =	ssyncset.done @!p3 $0x0  }
0x11e: {  	[sflag:s16] =	ssyncadd.s32 @!p3 $0xFFFFFFB0  }
0x11f: {  	_ =	swait.ge @!p3 [sflag:s16], $0x50  }
0x120: {  	[sflag:s16] =	ssyncset.done @!p3 $0x0  }
0x121: {  	[sflag:s16] =	ssyncadd.s32 @!p3 $0xFFFFFFB0  }
0x122: {  	_ =	swait.ge @!p3 [sflag:s16], $0x50  }
0x123: {  	[sflag:s16] =	ssyncset.done @!p3 $0x0  }
0x124: {  	[sflag:s16] =	ssyncadd.s32 @!p3 $0xFFFFFFB0  }
0x125: {  	_ =	swait.ge @!p3 [sflag:s16], $0x50  }
0x126: {  	[sflag:s16] =	ssyncset.done @!p3 $0x0  }
0x127: {  	[sflag:s16] =	ssyncadd.s32 @!p3 $0xFFFFFFB0  }
0x128: {  	_ =	swait.ge @!p3 [sflag:s16], $0x50  }
0x129: {  	[sflag:s16] =	ssyncset.done @!p3 $0x0  }
0x12a: {  	[sflag:s16] =	ssyncadd.s32 @!p3 $0xFFFFFFB0  }
0x12b: {  	_ =	swait.ge @!p3 [sflag:s16], $0x50  }
0x12c: {  	[sflag:s16] =	ssyncset.done @!p3 $0x0  }
0x12d: {  	[sflag:s16] =	ssyncadd.s32 @!p3 $0xFFFFFFB0  }
0x12e: {  	_ =	swait.ge @!p3 [sflag:s16], $0x50  }
0x12f: {  	[sflag:s16] =	ssyncset.done @!p3 $0x0  }
0x130: {  	[sflag:s16] =	ssyncadd.s32 @!p3 $0xFFFFFFB0  }
0x131: {  	_ =	swait.ge @!p3 [sflag:s16], $0x50  }
0x132: {  	[sflag:s16] =	ssyncset.done @!p3 $0x0  }
0x133: {  	[sflag:s16] =	ssyncadd.s32 @!p3 $0xFFFFFFB0  }
0x134: {  	_ =	swait.ge @!p3 [sflag:s16], $0x50  }
0x135: {  	[sflag:s16] =	ssyncset.done @!p3 $0x0  }
0x136: {  	[sflag:s16] =	ssyncadd.s32 @!p3 $0xFFFFFFB0  }
0x137: {  	_ =	swait.ge @!p3 [sflag:s16], $0x50  }
0x138: {  	[sflag:s16] =	ssyncset.done @!p3 $0x0  }
0x139: {  	[sflag:s16] =	ssyncadd.s32 @!p3 $0xFFFFFFB0  }
0x13a: {  	_ =	swait.ge @!p3 [sflag:s16], $0x50  }
0x13b: {  	[sflag:s16] =	ssyncset.done @!p3 $0x0  }
0x13c: {  	p4 =	seq.s32 @!p3 s0, $0x4;
	[sflag:s16] =	ssyncadd.s32 @!p3 $0xFFFFFFB0  }
0x13d: {  	p4 =	por p3, !p4;
	_ =	swait.ge @!p3 [sflag:s16], $0x50  }
.Ltmp3:
0x13e: {  	[sflag:s16] =	ssyncset.done @!p3 $0x0;
	(pc) =	sbr.rel @!p4 .LBB2_8-.Ltmp3, $4  }
0x13f: {  	[sflag:s16] =	ssyncadd.s32 @!p3 $0xFFFFFFB0  }
0x140: {  	_ =	swait.ge @!p3 [sflag:s16], $0x50  }
0x141: {  	[sflag:s16] =	ssyncset.done @!p3 $0x0  }
0x142: {  	[sflag:s16] =	ssyncadd.s32 @!p3 $0xFFFFFFB0  }
0x143: {  	s16 =	simm.s32 $0x140;
	s17 =	sadd.s32 $0x0, s15;
	s18 =	sadd.s32 $0x0, s1  }
.LBB2_6:
0x144: {  	[tilespmem:s17], [sflag:$0x1] =	stream.indirect.gather [spmem:s3], $0x1, s18, s14, $0xb8;
	[tilespmem:$0x62B8] =	vst v63  }
0x145: {  	s17 =	smov.u32 s16;
	p3 =	sne.s32 s16, $0x1E00  }
.Ltmp4:
0x146: {  	s16 =	sadd.s32 $0x140, s16;
	(pc) =	sbr.rel @p3 .LBB2_6-.Ltmp4, $3  }
0x147: {  	_ =	sdelay $0x1  }
0x148: {  	s18 =	sshra.s32 s17, $0x2  }
0x149: {  	s17 =	sadd.s32 s18, s15;
	s18 =	sadd.s32 s18, s1  }
0x14a: {  	s0 =	sadd.s32 $0x1, s0  }
0x14b: {  	p3 =	sne.s32 s0, $0x5  }
.Ltmp5:
0x14c: {  	_ = 	snop;
	(pc) =	sbr.rel @p3 .LBB2_2-.Ltmp5, $4  }
.Ltmp6:
0x14d: {  	_ = 	snop;
	(pc) =	sbr.rel @!p3 .LBB2_8-.Ltmp6, $4  }
0x14e: {  	[tilespmem:s17], [sflag:$0x1] =	stream.indirect.gather [spmem:s3], $0x1, s18, s14, $0xb8;
	[tilespmem:$0x62B8] =	vst v63  }
0x14f: {  	s31 =	sadd.s32 $0x7D0, s31  }
0x150: {  	p1 =	por !p1, !p1;
	p2 =	por !p2, !p2;
	s1 =	sadd.s32 $0x7D0, s1  }
0x151: {  	_ = 	snop  }
.LBB2_9:
0x152: {  	_ =	sfence.sel $0x180000  }
0x153: {  	[bflag:$0x0] =	sbarrier.arrive $0xFFFF  }
0x154: {  	_ =	strace $0x9000004D  }
0x155: {  	[bflag:$0x2] =	sbarrier.arrive $0xFFFF  }
0x156: {  	s0 =	rddreg [dreg:$0x4]  }
0x157: {  	s0 =	sadd.s32 @!p0 $0x100000, s0  }
0x158: {  	[sflag:s0] =	ssyncadd.tile.s32 @!p0 $0x1;
	_ =	shalt  }
.Lfunc_end2:
_tile_overlayer_lowered:
.L_overlay_start_2:
0x159: {  	(tag) =	ssettag $0x2  }
0x15a: {  	s0 =	rddreg [dreg:$0x0];
	s2 =	stileid.u32  }
0x15b: {  	s1 =	rddreg [dreg:$0x1];
	p0 =	sne.s32 s2, $0x0  }
0x15c: {  	s3 =	rddreg [dreg:$0x2];
	[bflag:$0x3] =	sbarrier.arrive $0xFFFF;
	s2 =	simm.s32 @!p0 $0x1C03  }
0x15d: {  	[timem:s3], [sflag:s2] =	dma.local @!p0 [hbm:s0], s1  }
0x15e: {  	s0 =	simm.s32 @!p0 $0x3  }
0x15f: {  	_ =	swait.ge @!p0 [sflag:s0], s1  }
0x160: {  	s1 =	ssub.s32 @!p0 $0x0, s1;
	[sflag:s0] =	ssyncset.done @!p0 $0x0  }
0x161: {  	[sflag:s0] =	ssyncadd.s32 @!p0 s1  }
0x162: {  	[bflag:$0x3] =	sbarrier.arrive $0xFFFF  }
0x163: {  	_ =	shalt  }

// kernel: kernel.9.cloned.1.call-start
scs
__scs_entry_jumppad:
0x0: {  	(pc) =	sbr.rel $0x88, $3  }
0x1: {  	(tag) =	ssettag $0x0;
	lr =	simm.s32 $0x1  }
0x2: {  	[smem:$0x3F9A] =	sst lr;
	_ =	strace $0xD0000000  }
0x3: {  	_ = 	snop  }
0x4: {  	_ = 	snop  }
0x5: {  	_ = 	snop  }
0x6: {  	_ = 	snop  }
0x7: {  	_ = 	snop  }
__scs_overlays_trampoline_lowered:
0x8: {  	[smem:$0x3FA9] =	sst s0  }
0x9: {  	[smem:$0x3FAA] =	sst s1  }
0xa: {  	[smem:$0x3FAB] =	sst s2  }
0xb: {  	[smem:$0x3FAC] =	sst s3  }
0xc: {  	[smem:$0x3FAD] =	sst s4  }
0xd: {  	[smem:$0x3FAE] =	sst s5  }
0xe: {  	[smem:$0x3FAF] =	sst s6  }
0xf: {  	[smem:$0x3FB0] =	sst s7  }
0x10: {  	[smem:$0x3FB1] =	sst s8  }
0x11: {  	[smem:$0x3FB2] =	sst s9;
	s0 =	simm.s32 @!p0 $0x0  }
0x12: {  	s1 =	sld [smem:$0x3F98];
	s0 =	simm.s32 @p0 $0x1  }
0x13: {  	[smem:$0x3FB3] =	sst s0;
	s0 =	simm.s32 @!p1 $0x0  }
0x14: {  	s2 =	sld [smem:$0x3F97];
	s0 =	simm.s32 @p1 $0x1  }
0x15: {  	[smem:$0x3FB4] =	sst s0;
	s0 =	simm.s32 @!p2 $0x0  }
0x16: {  	s3 =	sld [smem:$0x3FDB];
	s0 =	simm.s32 @p2 $0x1  }
0x17: {  	s4 =	simm.s32 $0x1BF5;
	[smem:$0x3FB6] =	sst s0  }
0x18: {  	s0 =	sld [smem:$0x3F99];
	_ =	swait.ge [sflag:s4], $0x0  }
0x19: {  	s7 =	sld [smem:$0x3F9A]  }
0x1a: {  	s8 =	sadd.s32 $0xFFFFE003, lr  }
0x1b: {  	s9 =	sadd.s32 $0xFFFFFEF7, lr;
	s5 =	simm.s32 $0xFFFFFFFF;
	p2 =	slt.u32 s8, $0xFFFFF086  }
0x1c: {  	p1 =	slt.u32 s9, $0xF7A;
	s5 =	simm.s32 @!p2 $0x0  }
0x1d: {  	s5 =	simm.s32 @p1 $0x1;
	p0 =	seq.s32 s7, s2  }
0x1e: {  	s7 =	smul.u32 @!p0 $0xF7A, s2;
	p2 =	seq.s32 @!p0 s5, $0x0  }
0x1f: {  	s9 =	smul.u32 $0xF7A, s1;
	s8 =	simm.s32 @!p0 $0x1BF5;
	p2 =	por !p2, p0  }
0x20: {  	[sflag:s8] =	ssyncset.s32 @!p0 $0xFFFFF086;
	s6 =	sadd.s32 @!p0 s3, s7;
	s7 =	simm.s32 @!p0 $0x108  }
0x21: {  	s3 =	sadd.s32 s3, s9;
	s6 =	sadd.s32 @!p0 $0x88, s6;
	s7 =	simm.s32 @p2 $0x1082  }
0x22: {  	[simem:s7], [sflag:s8] =	dma.local @!p0 [hbm:s6], $0xF7A  }
0x23: {  	s9 =	sor.u32 $0xD0000000, s2;
	s6 =	simm.s32 $0x108;
	_ =	swait.ge @!p0 [sflag:s8], $0x0  }
0x24: {  	s3 =	sadd.s32 $0x88, s3;
	s6 =	simm.s32 @!p1 $0x1082;
	[sflag:s4] =	ssyncset.s32 $0xFFFFF086  }
0x25: {  	[simem:s6], [sflag:s4] =	dma.local [hbm:s3], $0xF7A  }
0x26: {  	[smem:$0x3F9A] =	sst s1;
	(tag) =	ssettag s2;
	_ =	strace s9  }
0x27: {  	s1 =	sld [smem:$0x3FAA]  }
0x28: {  	s2 =	sld [smem:$0x3FAB]  }
0x29: {  	s4 =	sld [smem:$0x3FAD]  }
0x2a: {  	p0 =	seq.s32 s5, $0x0;
	s5 =	sld [smem:$0x3FAE]  }
0x2b: {  	s6 =	sld [smem:$0x3FAF]  }
0x2c: {  	s7 =	sld [smem:$0x3FB0]  }
0x2d: {  	s3 =	simm.s32 $0x108;
	s8 =	sld [smem:$0x3FB1]  }
0x2e: {  	s3 =	simm.s32 @!p0 $0x1082;
	s9 =	sld [smem:$0x3FB2]  }
0x2f: {  	lr =	sadd.s32 s0, s3;
	s0 =	sld [smem:$0x3FA9]  }
0x30: {  	s3 =	sld [smem:$0x3FAC]  }
0x31: {  	[smem:$0x3FB5] =	sst s10  }
0x32: {  	s10 =	sld [smem:$0x3FB3];
	_ =	sdelay $0x3  }
0x33: {  	p0 =	seq.s32 s10, $0x1;
	s10 =	sld [smem:$0x3FB5];
	_ =	sdelay $0x3  }
0x34: {  	[smem:$0x3FB5] =	sst s10  }
0x35: {  	s10 =	sld [smem:$0x3FB4];
	_ =	sdelay $0x3  }
0x36: {  	p1 =	seq.s32 s10, $0x1;
	s10 =	sld [smem:$0x3FB5];
	_ =	sdelay $0x3  }
0x37: {  	[smem:$0x3FB5] =	sst s10  }
0x38: {  	s10 =	sld [smem:$0x3FB6]  }
0x39: {  	_ = 	snop;
	(pc) =	sbr.ind lr, $3  }
0x3a: {  	_ = 	snop  }
0x3b: {  	_ = 	snop  }
0x3c: {  	p2 =	seq.s32 s10, $0x1;
	s10 =	sld [smem:$0x3FB5]  }
0x3d: {  	_ =	shalt  }
0x3e: {  	_ =	shalt  }
0x3f: {  	_ =	shalt  }
0x40: {  	_ =	shalt  }
0x41: {  	_ =	shalt  }
0x42: {  	_ =	shalt  }
0x43: {  	_ =	shalt  }
0x44: {  	_ =	shalt  }
0x45: {  	_ =	shalt  }
0x46: {  	_ =	shalt  }
0x47: {  	_ =	shalt  }
0x48: {  	_ =	shalt  }
0x49: {  	_ =	shalt  }
0x4a: {  	_ =	shalt  }
0x4b: {  	_ =	shalt  }
0x4c: {  	_ =	shalt  }
0x4d: {  	_ =	shalt  }
0x4e: {  	_ =	shalt  }
0x4f: {  	_ =	shalt  }
0x50: {  	_ =	shalt  }
0x51: {  	_ =	shalt  }
0x52: {  	_ =	shalt  }
0x53: {  	_ =	shalt  }
0x54: {  	_ =	shalt  }
0x55: {  	_ =	shalt  }
0x56: {  	_ =	shalt  }
0x57: {  	_ =	shalt  }
0x58: {  	_ =	shalt  }
0x59: {  	_ =	shalt  }
0x5a: {  	_ =	shalt  }
0x5b: {  	_ =	shalt  }
0x5c: {  	_ =	shalt  }
0x5d: {  	_ =	shalt  }
0x5e: {  	_ =	shalt  }
0x5f: {  	_ =	shalt  }
0x60: {  	_ =	shalt  }
0x61: {  	_ =	shalt  }
0x62: {  	_ =	shalt  }
0x63: {  	_ =	shalt  }
0x64: {  	_ =	shalt  }
0x65: {  	_ =	shalt  }
0x66: {  	_ =	shalt  }
0x67: {  	_ =	shalt  }
0x68: {  	_ =	shalt  }
0x69: {  	_ =	shalt  }
0x6a: {  	_ =	shalt  }
0x6b: {  	_ =	shalt  }
0x6c: {  	_ =	shalt  }
0x6d: {  	_ =	shalt  }
0x6e: {  	_ =	shalt  }
0x6f: {  	_ =	shalt  }
0x70: {  	_ =	shalt  }
0x71: {  	_ =	shalt  }
0x72: {  	_ =	shalt  }
0x73: {  	_ =	shalt  }
0x74: {  	_ =	shalt  }
0x75: {  	_ =	shalt  }
0x76: {  	_ =	shalt  }
0x77: {  	_ =	shalt  }
0x78: {  	_ =	shalt  }
0x79: {  	_ =	shalt  }
0x7a: {  	_ =	shalt  }
0x7b: {  	_ =	shalt  }
0x7c: {  	_ =	shalt  }
0x7d: {  	_ =	shalt  }
0x7e: {  	_ =	shalt  }
0x7f: {  	_ =	shalt  }
0x80: {  	_ =	shalt  }
0x81: {  	_ =	shalt  }
0x82: {  	_ =	shalt  }
0x83: {  	_ =	shalt  }
0x84: {  	_ =	shalt  }
0x85: {  	_ =	shalt  }
0x86: {  	_ =	shalt  }
0x87: {  	_ =	shalt  }
.Lfunc_end0:
.L_simem_size_0:
called_computation_lowered:
.L_overlay_start_0:
0x88: {  	s2 =	sld [smem:$0x3FD9]  }
0x89: {  	s3 =	sld [smem:$0x3FFE];
	_ =	sdelay $0x1  }
0x8a: {  	s1 =	srdreg.scid  }
0x8b: {  	s0 =	sand.u32 $0x1, s1  }
0x8c: {  	s17 =	sshll.u32 s0, $0xA;
	s2 =	sadd.s32 s3, s2  }
0x8d: {  	s2 =	sadd.s32 s2, s17  }
0x8e: {  	[smem:$0x3FC1] =	sst s2  }
0x8f: {  	_ = 	snop  }
0x90: {  	s2 =	sld [smem:$0x3FD0];
	(tm) =	ssettm $0x1  }
0x91: {  	s18 =	sld [smem:$0x3FFB];
	_ =	sdelay $0x3  }
0x92: {  	_ =	strace s18  }
0x93: {  	s3 =	sld [smem:$0x3FFC];
	_ =	sdelay $0x3  }
0x94: {  	_ =	strace s3  }
0x95: {  	s3 =	sld [smem:$0x3FFD];
	_ =	sdelay $0x3  }
0x96: {  	_ =	strace s3  }
0x97: {  	_ =	strace $0x8FFFFFFF  }
0x98: {  	s19 =	sld [smem:$0x3FDB];
	_ =	sdelay $0x1  }
0x99: {  	s4 =	simm.s32 $_scs_section_size  }
0x9a: {  	s5 =	simm.s32 $_size__tile_overlayer_lowered;
	s6 =	simm.s32 $_tile_overlayer_lowered  }
0x9b: {  	s22 =	simm.s32 $0x1BFF;
	s21 =	sshll.u32 s6, $0x1;
	s3 =	sadd.s32 s4, s19  }
0x9c: {  	s7 =	simm.s32 $0x0;
	s20 =	sshll.u32 s5, $0x1;
	s5 =	sadd.s32 s21, s3  }
0x9d: {  	[timem:s7], [sflag:s22] =	dma.local [hbm:s5], s20  }
0x9e: {  	_ =	swait.ge [sflag:s22], s20  }
0x9f: {  	s4 =	ssub.s32 $0x0, s20;
	[sflag:s22] =	ssyncset.done $0x0  }
0xa0: {  	[sflag:s22] =	ssyncadd.s32 s4;
	_ =	sdelay $0x1  }
0xa1: {  	s23 =	simm.s32 $0x1B8B  }
0xa2: {  	_ =	swait.ge [sflag:s23], $0x1  }
0xa3: {  	[sflag:s23] =	ssyncset.done $0x0  }
0xa4: {  	s25 =	simm.s32 $0x1B8E;
	s24 =	sld [smem:$0x3FFE];
	[sflag:s23] =	ssyncadd.s32 $0xFFFFFFFF  }
0xa5: {  	s26 =	simm.s32 $execute0_lowered;
	[smem:$0x3FD2] =	sst s25  }
0xa6: {  	s5 =	sshll.u32 s26, $0x1;
	_ =	strace $0x80000046;
	[dreg:$0x1] =	wrdreg $0xFFFFFFFF  }
0xa7: {  	s28 =	simm.s32 $_size_execute0_lowered;
	s3 =	sadd.s32 s3, s5;
	[dreg:$0x0] =	wrdreg $0x0  }
0xa8: {  	s5 =	sshll.u32 s28, $0x1;
	[dreg:$0x2] =	wrdreg s3  }
0xa9: {  	[dreg:$0x3] =	wrdreg s5  }
0xaa: {  	[dreg:$0x4] =	wrdreg $0xC0  }
0xab: {  	_ =	task [dreg:s7], $0x5FFFF  }
0xac: {  	[dreg:$0x1] =	wrdreg $0xFFFFFFFF  }
0xad: {  	[dreg:$0x0] =	wrdreg $0x60  }
0xae: {  	[dreg:$0x2] =	wrdreg s24  }
0xaf: {  	[dreg:$0x3] =	wrdreg s2  }
0xb0: {  	[dreg:$0x4] =	wrdreg $0x75800  }
0xb1: {  	[dreg:$0x5] =	wrdreg $0x78000  }
0xb2: {  	[dreg:$0x6] =	wrdreg $0x9  }
0xb3: {  	_ =	task.clear_ibuf [dreg:s7], $0x7FFFF;
	_ =	strace $0x90000046  }
0xb4: {  	s29 =	simm.s32 $0x9;
	_ =	strace $0x80000048  }
0xb5: {  	_ =	swait.ge [sflag:s29], $0x1  }
0xb6: {  	[sflag:s29] =	ssyncadd.s32 $0xFFFFFFFF  }
0xb7: {  	_ =	strace $0x90000048  }
0xb8: {  	_ =	sfence  }
0xb9: {  	s30 =	sld [smem:$0x0];
	_ =	sdelay $0x2  }
0xba: {  	s31 =	sshll.u32 s1, $0xD;
	s1 =	sshrl.u32 s1, $0x2  }
0xbb: {  	s3 =	sand.u32 $0x4000, s31;
	s1 =	sadd.s32 s1, s30  }
0xbc: {  	s0 =	sor.u32 s3, s0;
	s1 =	sshll.u32 s1, $0x11  }
0xbd: {  	s0 =	sor.u32 s1, s0  }
0xbe: {  	s0 =	sadd.s32 $0x8F2B, s0  }
0xbf: {  	[sflag:s0] =	ssyncadd.remote.s32 $0x1  }
0xc0: {  	_ =	sfence.sel $0xFFFF  }
0xc1: {  	[dreg:$0x0] =	wrdreg $0xFFFFFFFF;
	(pc) =	sbr.abs _section_cstart, $3  }
0xc2: {  	[dreg:$0x1] =	wrdreg $0xFFFFFFFF  }
0xc3: {  	_ =	task.clear_ibuf [dreg:s7], $0x2FFFF;
	_ =	strace $0x9FFFFFFF  }
0xc4: {  	(tm) =	ssettm $0x7FFFFFFF  }
0xc5: {  	_ =	shalt  }
tec
execute0_lowered:
.L_overlay_start_1:
0x0: {  	(tag) =	ssettag $0x1  }
0x1: {  	s6 =	rddreg [dreg:$0x0]  }
0x2: {  	s2 =	rddreg [dreg:$0x1]  }
0x3: {  	s3 =	rddreg [dreg:$0x2];
	s0 =	srdreg.scid  }
0x4: {  	s4 =	rddreg [dreg:$0x3];
	s1 =	stileid.u32  }
0x5: {  	s5 =	simm.s32 $0x0;
	s16 =	simm.s32 $0x2710;
	s17 =	simm.s32 $0x4E20  }
0x6: {  	s18 =	simm.s32 $0x50;
	s19 =	simm.s32 $0x7530;
	s20 =	simm.s32 $0x1  }
0x7: {  	s21 =	simm.s32 $0x0;
	s7 =	sand.u32 $0x1, s0;
	s0 =	rddreg [dreg:$0x4]  }
0x8: {  	s9 =	smul.u32 $0x280, s1;
	[smem:$0x7FF] =	sst s5;
	s31 =	sshll.u32 s1, $0x6  }
0x9: {  	s8 =	sshll.u32 s7, $0x4;
	s10 =	smul.u32 $0x2800, s7;
	s7 =	ssub.s32 $0x2, s7  }
0xa: {  	_ =	strace $0x80000047;
	s8 =	sor.u32 s1, s8;
	s30 =	sshrl.u32 s7, $0x1  }
0xb: {  	s14 =	sadd.s32 s9, s3;
	s8 =	smul.u32 $0x4E2, s8;
	s10 =	sadd.s32 s9, s10  }
0xc: {  	s15 =	sadd.s32 s9, s4;
	s13 =	ssub.s32 s7, s30;
	s29 =	sshrl.u32 s10, $0x3  }
0xd: {  	s15 =	sshrl.u32 s15, $0x3;
	s11 =	sadd.s32 s8, s6;
	s12 =	sadd.s32 s29, s6  }
0xe: {  	s6 =	sor.u32 $0x1C02, s31;
	s7 =	sadd.s32 $0x2A00, s11;
	s8 =	sadd.s32 $0xC800, s11  }
0xf: {  	s9 =	sadd.s32 $0x16600, s11;
	s10 =	sadd.s32 $0x20E00, s12;
	s11 =	sadd.s32 $0x20400, s12  }
0x10: {  	v0 =	vimm.f32 $1.000000000e+00;
	s12 =	smax.u32 s13, $0x1;
	s13 =	sshrl.u32 s14, $0x3;
	s14 =	simm.s32 $0x2  }
.LBB2_1:
0x11: {  	[spmem:s13], [sflag:s6] =	dma.local [hbm:s2], $0x50  }
0x12: {  	_ =	swait.ge [sflag:s14], $0x50  }
0x13: {  	[sflag:s14] =	ssyncset.done $0x0  }
0x14: {  	[sflag:s14] =	ssyncadd.s32 $0xFFFFFFB0  }
0x15: {  	[spmem:s15], [sflag:s6] =	dma.local [hbm:s2], $0x50  }
0x16: {  	_ =	swait.ge [sflag:s14], $0x50  }
0x17: {  	[sflag:s14] =	ssyncset.done $0x0  }
0x18: {  	[sflag:s14] =	ssyncadd.s32 $0xFFFFFFB0  }
0x19: {  	[tilespmem:$0x7530] =	vst v0  }
0x1a: {  	[tilespmem:$0x7540] =	vst v0  }
0x1b: {  	[tilespmem:$0x7550] =	vst v0  }
0x1c: {  	[tilespmem:$0x7560] =	vst v0  }
0x1d: {  	[tilespmem:$0x7570] =	vst v0  }
0x1e: {  	[tilespmem:s5], [sflag:$0x2] =	stream.linear.gather [hbm4b:s7+s5], $0x2710, $0x38;
	[tilespmem:$0x7A80] =	vst v63  }
0x1f: {  	_ =	swait.ge [sflag:s14], $0x2710  }
0x20: {  	[sflag:s14] =	ssyncset.done $0x0  }
0x21: {  	[sflag:s14] =	ssyncadd.s32 $0xFFFFD8F0  }
0x22: {  	[tilespmem:s16], [sflag:$0x2] =	stream.linear.gather [hbm4b:s8+s5], $0x2710, $0x38;
	[tilespmem:$0x7A80] =	vst v63  }
0x23: {  	_ =	swait.ge [sflag:s14], $0x2710  }
0x24: {  	[sflag:s14] =	ssyncset.done $0x0  }
0x25: {  	[sflag:s14] =	ssyncadd.s32 $0xFFFFD8F0  }
0x26: {  	[tilespmem:s17], [sflag:$0x2] =	stream.linear.gather [hbm4b:s9+s5], $0x2710, $0x38;
	[tilespmem:$0x7A80] =	vst v63  }
0x27: {  	_ =	swait.ge [sflag:s14], $0x2710  }
0x28: {  	[sflag:s14] =	ssyncset.done $0x0  }
0x29: {  	[sflag:s14] =	ssyncadd.s32 $0xFFFFD8F0  }
0x2a: {  	s22 =	simm.s32 $0x2710;
	[bflag:$0x0] =	sbarrier.arrive $0xFFFF  }
0x2b: {  	[spmem:s3] =	stream.indirect.scatter.add.f32 [tilespmem:s19], [sflag:$0x1], $0x1, s22, s18, $0xb8;
	[tilespmem:$0x7A80] =	vst v63  }
0x2c: {  	s23 =	simm.s32 $0x0;
	s24 =	simm.s32 $0x4E20;
	s22 =	simm.s32 $0x140  }
.LBB2_2:
0x2d: {  	[spmem:s4] =	stream.indirect.scatter.add.f32 [tilespmem:s24], [sflag:$0x1], $0x1, s23, s18, $0xb8;
	[tilespmem:$0x7A80] =	vst v63  }
0x2e: {  	s23 =	smov.u32 s22;
	p0 =	sne.s32 s22, $0x9B00  }
.Ltmp0:
0x2f: {  	s22 =	sadd.s32 $0x140, s22;
	(pc) =	sbr.rel @p0 .LBB2_2-.Ltmp0, $4  }
0x30: {  	s23 =	sshra.s32 s23, $0x2  }
0x31: {  	s24 =	sadd.s32 $0x2710, s23  }
0x32: {  	[spmem:s3] =	stream.indirect.scatter.add.f32 [tilespmem:s19], [sflag:$0x1], $0x1, s24, s18, $0xb8;
	[tilespmem:$0x7A80] =	vst v63  }
0x33: {  	s24 =	sadd.s32 $0x4E20, s23  }
0x34: {  	[spmem:s4] =	stream.indirect.scatter.add.f32 [tilespmem:s24], [sflag:$0x1], $0x1, s23, s18, $0xb8;
	[tilespmem:$0x7A80] =	vst v63  }
0x35: {  	_ =	swait.ge [sflag:s20], $0x50  }
0x36: {  	[sflag:s20] =	ssyncset.done $0x0  }
0x37: {  	[sflag:s20] =	ssyncadd.s32 $0xFFFFFFB0  }
0x38: {  	_ =	swait.ge [sflag:s20], $0x50  }
0x39: {  	s22 =	simm.s32 $0x7C;
	[sflag:s20] =	ssyncset.done $0x0  }
.LBB2_4:
0x3a: {  	p0 =	sne.s32 s22, $0x1;
	s22 =	sadd.s32 $0xFFFFFFFF, s22;
	[sflag:s20] =	ssyncadd.s32 $0xFFFFFFB0  }
.Ltmp1:
0x3b: {  	_ =	swait.ge [sflag:s20], $0x50;
	(pc) =	sbr.rel @p0 .LBB2_4-.Ltmp1, $4  }
0x3c: {  	[sflag:s20] =	ssyncset.done $0x0  }
0x3d: {  	[sflag:s20] =	ssyncadd.s32 $0xFFFFFFB0  }
0x3e: {  	_ =	swait.ge [sflag:s20], $0x50  }
0x3f: {  	[sflag:s20] =	ssyncset.done $0x0  }
0x40: {  	[sflag:s20] =	ssyncadd.s32 $0xFFFFFFB0  }
0x41: {  	[bflag:$0x0] =	sbarrier.arrive $0xFFFF  }
0x42: {  	[hbm:s10], [sflag:s6] =	dma.local [spmem:s13], $0x50  }
0x43: {  	s21 =	sadd.s32 $0x1, s21;
	_ =	swait.ge [sflag:s14], $0x50  }
0x44: {  	p0 =	sne.s32 s21, s12;
	[sflag:s14] =	ssyncset.done $0x0  }
.Ltmp2:
0x45: {  	[sflag:s14] =	ssyncadd.s32 $0xFFFFFFB0;
	(pc) =	sbr.rel @p0 .LBB2_1-.Ltmp2, $4  }
0x46: {  	[hbm:s11], [sflag:s6] =	dma.local [spmem:s15], $0x50  }
0x47: {  	_ =	swait.ge [sflag:s14], $0x50  }
0x48: {  	[sflag:s14] =	ssyncset.done $0x0  }
0x49: {  	[sflag:s14] =	ssyncadd.s32 $0xFFFFFFB0  }
0x4a: {  	_ =	sfence.sel $0x180000  }
0x4b: {  	[bflag:$0x0] =	sbarrier.arrive $0xFFFF  }
0x4c: {  	p0 =	sne.s32 s1, $0x0;
	_ =	strace $0x90000047  }
0x4d: {  	s0 =	sadd.s32 @!p0 $0x100000, s0;
	[bflag:$0x2] =	sbarrier.arrive $0xFFFF  }
0x4e: {  	[sflag:s0] =	ssyncadd.tile.s32 @!p0 $0x1;
	_ =	shalt  }
.Lfunc_end2:
_tile_overlayer_lowered:
.L_overlay_start_2:
0x4f: {  	(tag) =	ssettag $0x2  }
0x50: {  	s0 =	rddreg [dreg:$0x0];
	s2 =	stileid.u32  }
0x51: {  	s1 =	rddreg [dreg:$0x1];
	p0 =	sne.s32 s2, $0x0  }
0x52: {  	s3 =	rddreg [dreg:$0x2];
	[bflag:$0x3] =	sbarrier.arrive $0xFFFF;
	s2 =	simm.s32 @!p0 $0x1C02  }
0x53: {  	[timem:s3], [sflag:s2] =	dma.local @!p0 [hbm:s0], s1  }
0x54: {  	s0 =	simm.s32 @!p0 $0x2  }
0x55: {  	_ =	swait.ge @!p0 [sflag:s0], s1  }
0x56: {  	s1 =	ssub.s32 @!p0 $0x0, s1;
	[sflag:s0] =	ssyncset.done @!p0 $0x0  }
0x57: {  	[sflag:s0] =	ssyncadd.s32 @!p0 s1  }
0x58: {  	[bflag:$0x3] =	sbarrier.arrive $0xFFFF  }
0x59: {  	_ =	shalt  }

</sc_bundles>
